<compile_context>
chip_gen: v7x
topology: tpu7x:2x2x1
jax: 0.10.2.dev20260603
libtpu: 0.0.44.dev20260713+nightly
codegen_flags: <defaults>
</compile_context>

<pallas_src>
import jax
import jax.numpy as jnp
from jax import lax
from jax.experimental import pallas as pl
from jax.experimental.pallas import tpu as pltpu
from jax.experimental.pallas import tpu_sc as plsc

B = 16384
F = 26
ROWS_PER_FIELD = 40000
NC = 2
NS = 16
NW = NC * NS
BPW = B // NW
LANES = 16
GPF = BPW // LANES


def _body(x_hbm, table_hbm, bias_hbm, out_hbm, x_v, idx_v, emb_v, out_v, bias_v, sem):
    wid = lax.axis_index("s") * NC + lax.axis_index("c")
    base = wid * BPW

    pltpu.sync_copy(x_hbm.at[:, pl.ds(base, BPW)], x_v)
    pltpu.sync_copy(bias_hbm, bias_v)

    def step(f, _):
        off = f * ROWS_PER_FIELD
        for g in range(GPF):
            idx_v[pl.ds(f * BPW + g * LANES, LANES)] = (
                x_v[f, pl.ds(g * LANES, LANES)] + off
            )
        pltpu.async_copy(
            table_hbm.at[0].at[idx_v.at[pl.ds(f * BPW, BPW)]],
            emb_v.at[pl.ds(f * BPW, BPW)],
            sem,
        )
        return 0

    lax.fori_loop(0, F, step, 0)
    pltpu.make_async_copy(table_hbm.at[0].at[pl.ds(0, F * BPW)], emb_v, sem).wait()

    bias_vec = bias_v[...]

    def red(s, _):
        col = s * LANES
        acc = bias_vec
        for f in range(F):
            acc = acc + emb_v[pl.ds(f * BPW + col, LANES)]
        out_v[pl.ds(col, LANES)] = acc
        return 0

    lax.fori_loop(0, GPF, red, 0)

    pltpu.sync_copy(out_v, out_hbm.at[pl.ds(base, BPW)])


def kernel(x, table, bias):
    xf = x.astype(jnp.int32).T
    bb = jnp.tile(bias.astype(jnp.float32), LANES)
    run = pl.kernel(
        _body,
        mesh=plsc.VectorSubcoreMesh(core_axis_name="c", subcore_axis_name="s"),
        out_type=jax.ShapeDtypeStruct((B,), jnp.float32),
        scratch_types=[
            pltpu.VMEM((F, BPW), jnp.int32),
            pltpu.VMEM((F * BPW,), jnp.int32),
            pltpu.VMEM((F * BPW,), jnp.float32),
            pltpu.VMEM((BPW,), jnp.float32),
            pltpu.VMEM((LANES,), jnp.float32),
            pltpu.SemaphoreType.DMA,
        ],
    )
    out = run(xf, table.T, bb)
    return out.reshape(B, 1)

# --- scband reference (transcript-rebuilt; emitter-appended) ---
"""Pipeline reference for scband-linear-feature-embedding-3126736191780 (READ-ONLY COPY).

The authoritative reference and input builder live on the scoring server;
editing this copy changes nothing except your own understanding.
"""

import jax, jax.numpy as jnp
import numpy as np

IN_FEATURES = [40000] * 26
OUT_FEATURES = 1
BATCH = 16384
N_FIELDS = 26
TOTAL_ROWS = sum(IN_FEATURES)


def setup_inputs(seed: int = 0) -> dict:
    key = jax.random.key(seed)
    k1, k2 = jax.random.split(key)
    x = jax.random.randint(k1, (BATCH, N_FIELDS), 0, 40000, dtype=jnp.int64 if jax.config.jax_enable_x64 else jnp.int32)
    table = jax.random.normal(k2, (TOTAL_ROWS, OUT_FEATURES), dtype=jnp.float32) * 0.01
    bias = jnp.zeros((OUT_FEATURES,), dtype=jnp.float32)
    return {"x": x, "table": table, "bias": bias}


def reference(x, table, bias):
    # offsets = (0, cumsum(in_features)[:-1])
    offsets_np = np.array((0, *np.cumsum(IN_FEATURES)[:-1]), dtype=np.int64)
    offsets = jnp.asarray(offsets_np, dtype=x.dtype)
    idx = x + offsets[None, :]                       # [B, F]
    emb = jnp.take(table, idx, axis=0)               # [B, F, out]
    out = jnp.sum(emb, axis=1) + bias                # [B, out]
    return out

if __name__ == "__main__":
    import jax
    _d = setup_inputs()
    print(jax.jit(kernel)(*tuple(_d.values())))

</pallas_src>

<mosaic_0001>
#map = affine_map<(d0, d1) -> (0, 0)>
#map1 = affine_map<(d0, d1) -> (0)>
module attributes {stable_mosaic.version = 14 : i64} {
  func.func @_body(%arg0: i32, %arg1: i32, %arg2: memref<26x16384xi32, #tpu.memory_space<hbm>>, %arg3: memref<1x1040000xf32, #tpu.memory_space<hbm>>, %arg4: memref<16xf32, #tpu.memory_space<hbm>>, %arg5: memref<16384xf32, #tpu.memory_space<hbm>>, %arg6: memref<26x512xi32, #tpu.memory_space<vmem>>, %arg7: memref<13312xi32, #tpu.memory_space<vmem>>, %arg8: memref<13312xf32, #tpu.memory_space<vmem>>, %arg9: memref<512xf32, #tpu.memory_space<vmem>>, %arg10: memref<16xf32, #tpu.memory_space<vmem>>, %arg11: memref<!tpu.dma_semaphore, #tpu.memory_space<semaphore_mem>>) attributes {dimension_semantics = [#tpu.dimension_semantics<core_parallel>, #tpu.dimension_semantics<subcore_parallel>], iteration_bounds = array<i64: 2, 16>, scalar_prefetch = 0 : i64, scratch_operands = 6 : i64, tpu.core_type = #tpu.core_type<sc_vector_subcore>, window_params = [{transform_indices = #map}, {transform_indices = #map}, {transform_indices = #map1}, {transform_indices = #map1}]} {
    %mul3A = arith.constant 2 : i32
    %mul3A_0 = arith.muli %arg1, %mul3A : i32
    %add3A = arith.addi %mul3A_0, %arg0 : i32
    %mul3A_1 = arith.constant 512 : i32
    %mul3A_2 = arith.muli %add3A, %mul3A_1 : i32
    "tpu.region"() ({
      %run_scoped3A = tpu.sem_alloc : memref<!tpu.dma_semaphore, #tpu.memory_space<semaphore_mem>>
      %dma_start3A = arith.constant 0 : i32
      %dma_start3A_28 = tpu.memref_slice %arg2[%dma_start3A, %mul3A_2] : memref<26x16384xi32, #tpu.memory_space<hbm>> -> memref<26x512xi32, #tpu.memory_space<hbm>>
      %dma_start3A_29 = arith.constant 0 : i32
      %dma_start3A_30 = tpu.memref_slice %arg2[%dma_start3A_29, %mul3A_2] : memref<26x16384xi32, #tpu.memory_space<hbm>> -> memref<26x512xi32, #tpu.memory_space<hbm>>
      tpu.enqueue_dma source(%dma_start3A_30 : memref<26x512xi32, #tpu.memory_space<hbm>>) target(%arg6 : memref<26x512xi32, #tpu.memory_space<vmem>>) target_semaphore(%run_scoped3A : memref<!tpu.dma_semaphore, #tpu.memory_space<semaphore_mem>>)
      %dma_wait3A_31 = arith.constant 0 : i32
      %dma_wait3A_32 = tpu.memref_slice %arg2[%dma_wait3A_31, %mul3A_2] : memref<26x16384xi32, #tpu.memory_space<hbm>> -> memref<26x512xi32, #tpu.memory_space<hbm>>
      %dma_wait3A_33 = arith.constant 0 : i32
      %dma_wait3A_34 = tpu.memref_slice %arg2[%dma_wait3A_33, %mul3A_2] : memref<26x16384xi32, #tpu.memory_space<hbm>> -> memref<26x512xi32, #tpu.memory_space<hbm>>
      tpu.wait_dma2 semaphore(%run_scoped3A : memref<!tpu.dma_semaphore, #tpu.memory_space<semaphore_mem>>) src(%dma_wait3A_34 : memref<26x512xi32, #tpu.memory_space<hbm>>) dst(%arg6 : memref<26x512xi32, #tpu.memory_space<vmem>>)
      tpu.yield
    }) : () -> ()
    "tpu.region"() ({
      %run_scoped3A = tpu.sem_alloc : memref<!tpu.dma_semaphore, #tpu.memory_space<semaphore_mem>>
      tpu.enqueue_dma source(%arg4 : memref<16xf32, #tpu.memory_space<hbm>>) target(%arg10 : memref<16xf32, #tpu.memory_space<vmem>>) target_semaphore(%run_scoped3A : memref<!tpu.dma_semaphore, #tpu.memory_space<semaphore_mem>>)
      tpu.wait_dma2 semaphore(%run_scoped3A : memref<!tpu.dma_semaphore, #tpu.memory_space<semaphore_mem>>) src(%arg4 : memref<16xf32, #tpu.memory_space<hbm>>) dst(%arg10 : memref<16xf32, #tpu.memory_space<vmem>>)
      tpu.yield
    }) : () -> ()
    %scan3A = arith.constant 0 : i32
    %scan3A_3 = arith.constant 0 : i32
    %scan3A_4 = arith.constant 26 : i32
    %scan3A_5 = arith.addi %scan3A_3, %scan3A_4 : i32
    %scan3A_6 = arith.constant 1 : i32
    %scan3A_7 = scf.for %scan3A_28 = %scan3A_3 to %scan3A_5 step %scan3A_6 iter_args(%scan3A_29 = %scan3A) -> (i32)  : i32 {
      %mul3A_30 = arith.constant 40000 : i32
      %mul3A_31 = arith.muli %scan3A_28, %mul3A_30 : i32
      %get3A_32 = arith.index_cast %scan3A_28 : i32 to index
      %get3A_33 = arith.constant 0 : index
      %get3A_34 = tpu.vector_load %arg6[%get3A_32, %get3A_33] {strides = array<i32>} : memref<26x512xi32, #tpu.memory_space<vmem>>, vector<1x16xi32>,
      %get3A_35 = vector.shape_cast %get3A_34 : vector<1x16xi32> to vector<16xi32>
      %add3A_36 = vector.broadcast %mul3A_31 : i32 to vector<16xi32>
      %add3A_37 = arith.addi %get3A_35, %add3A_36 : vector<16xi32>
      %mul3A_38 = arith.constant 512 : i32
      %mul3A_39 = arith.muli %scan3A_28, %mul3A_38 : i32
      %add3A_40 = arith.constant 0 : i32
      %add3A_41 = arith.addi %mul3A_39, %add3A_40 : i32
      %swap3A = arith.index_cast %add3A_41 : i32 to index
      %swap3A_42 = tpu.vector_load %arg7[%swap3A] {strides = array<i32>} : memref<13312xi32, #tpu.memory_space<vmem>>, vector<16xi32>,
      %swap3A_43 = vector.shape_cast %swap3A_42 : vector<16xi32> to vector<16xi32>
      %swap3A_44 = vector.shape_cast %add3A_37 : vector<16xi32> to vector<16xi32>
      tpu.vector_store %arg7[%swap3A], %swap3A_44 {strides = array<i32>} : memref<13312xi32, #tpu.memory_space<vmem>>, vector<16xi32>,
      %get3A_45 = arith.index_cast %scan3A_28 : i32 to index
      %get3A_46 = arith.constant 16 : index
      %get3A_47 = tpu.vector_load %arg6[%get3A_45, %get3A_46] {strides = array<i32>} : memref<26x512xi32, #tpu.memory_space<vmem>>, vector<1x16xi32>,
      %get3A_48 = vector.shape_cast %get3A_47 : vector<1x16xi32> to vector<16xi32>
      %add3A_49 = vector.broadcast %mul3A_31 : i32 to vector<16xi32>
      %add3A_50 = arith.addi %get3A_48, %add3A_49 : vector<16xi32>
      %mul3A_51 = arith.constant 512 : i32
      %mul3A_52 = arith.muli %scan3A_28, %mul3A_51 : i32
      %add3A_53 = arith.constant 16 : i32
      %add3A_54 = arith.addi %mul3A_52, %add3A_53 : i32
      %swap3A_55 = arith.index_cast %add3A_54 : i32 to index
      %swap3A_56 = tpu.vector_load %arg7[%swap3A_55] {strides = array<i32>} : memref<13312xi32, #tpu.memory_space<vmem>>, vector<16xi32>,
      %swap3A_57 = vector.shape_cast %swap3A_56 : vector<16xi32> to vector<16xi32>
      %swap3A_58 = vector.shape_cast %add3A_50 : vector<16xi32> to vector<16xi32>
      tpu.vector_store %arg7[%swap3A_55], %swap3A_58 {strides = array<i32>} : memref<13312xi32, #tpu.memory_space<vmem>>, vector<16xi32>,
      %get3A_59 = arith.index_cast %scan3A_28 : i32 to index
      %get3A_60 = arith.constant 32 : index
      %get3A_61 = tpu.vector_load %arg6[%get3A_59, %get3A_60] {strides = array<i32>} : memref<26x512xi32, #tpu.memory_space<vmem>>, vector<1x16xi32>,
      %get3A_62 = vector.shape_cast %get3A_61 : vector<1x16xi32> to vector<16xi32>
      %add3A_63 = vector.broadcast %mul3A_31 : i32 to vector<16xi32>
      %add3A_64 = arith.addi %get3A_62, %add3A_63 : vector<16xi32>
      %mul3A_65 = arith.constant 512 : i32
      %mul3A_66 = arith.muli %scan3A_28, %mul3A_65 : i32
      %add3A_67 = arith.constant 32 : i32
      %add3A_68 = arith.addi %mul3A_66, %add3A_67 : i32
      %swap3A_69 = arith.index_cast %add3A_68 : i32 to index
      %swap3A_70 = tpu.vector_load %arg7[%swap3A_69] {strides = array<i32>} : memref<13312xi32, #tpu.memory_space<vmem>>, vector<16xi32>,
      %swap3A_71 = vector.shape_cast %swap3A_70 : vector<16xi32> to vector<16xi32>
      %swap3A_72 = vector.shape_cast %add3A_64 : vector<16xi32> to vector<16xi32>
      tpu.vector_store %arg7[%swap3A_69], %swap3A_72 {strides = array<i32>} : memref<13312xi32, #tpu.memory_space<vmem>>, vector<16xi32>,
      %get3A_73 = arith.index_cast %scan3A_28 : i32 to index
      %get3A_74 = arith.constant 48 : index
      %get3A_75 = tpu.vector_load %arg6[%get3A_73, %get3A_74] {strides = array<i32>} : memref<26x512xi32, #tpu.memory_space<vmem>>, vector<1x16xi32>,
      %get3A_76 = vector.shape_cast %get3A_75 : vector<1x16xi32> to vector<16xi32>
      %add3A_77 = vector.broadcast %mul3A_31 : i32 to vector<16xi32>
      %add3A_78 = arith.addi %get3A_76, %add3A_77 : vector<16xi32>
      %mul3A_79 = arith.constant 512 : i32
      %mul3A_80 = arith.muli %scan3A_28, %mul3A_79 : i32
      %add3A_81 = arith.constant 48 : i32
      %add3A_82 = arith.addi %mul3A_80, %add3A_81 : i32
      %swap3A_83 = arith.index_cast %add3A_82 : i32 to index
      %swap3A_84 = tpu.vector_load %arg7[%swap3A_83] {strides = array<i32>} : memref<13312xi32, #tpu.memory_space<vmem>>, vector<16xi32>,
      %swap3A_85 = vector.shape_cast %swap3A_84 : vector<16xi32> to vector<16xi32>
      %swap3A_86 = vector.shape_cast %add3A_78 : vector<16xi32> to vector<16xi32>
      tpu.vector_store %arg7[%swap3A_83], %swap3A_86 {strides = array<i32>} : memref<13312xi32, #tpu.memory_space<vmem>>, vector<16xi32>,
      %get3A_87 = arith.index_cast %scan3A_28 : i32 to index
      %get3A_88 = arith.constant 64 : index
      %get3A_89 = tpu.vector_load %arg6[%get3A_87, %get3A_88] {strides = array<i32>} : memref<26x512xi32, #tpu.memory_space<vmem>>, vector<1x16xi32>,
      %get3A_90 = vector.shape_cast %get3A_89 : vector<1x16xi32> to vector<16xi32>
      %add3A_91 = vector.broadcast %mul3A_31 : i32 to vector<16xi32>
      %add3A_92 = arith.addi %get3A_90, %add3A_91 : vector<16xi32>
      %mul3A_93 = arith.constant 512 : i32
      %mul3A_94 = arith.muli %scan3A_28, %mul3A_93 : i32
      %add3A_95 = arith.constant 64 : i32
      %add3A_96 = arith.addi %mul3A_94, %add3A_95 : i32
      %swap3A_97 = arith.index_cast %add3A_96 : i32 to index
      %swap3A_98 = tpu.vector_load %arg7[%swap3A_97] {strides = array<i32>} : memref<13312xi32, #tpu.memory_space<vmem>>, vector<16xi32>,
      %swap3A_99 = vector.shape_cast %swap3A_98 : vector<16xi32> to vector<16xi32>
      %swap3A_100 = vector.shape_cast %add3A_92 : vector<16xi32> to vector<16xi32>
      tpu.vector_store %arg7[%swap3A_97], %swap3A_100 {strides = array<i32>} : memref<13312xi32, #tpu.memory_space<vmem>>, vector<16xi32>,
      %get3A_101 = arith.index_cast %scan3A_28 : i32 to index
      %get3A_102 = arith.constant 80 : index
      %get3A_103 = tpu.vector_load %arg6[%get3A_101, %get3A_102] {strides = array<i32>} : memref<26x512xi32, #tpu.memory_space<vmem>>, vector<1x16xi32>,
      %get3A_104 = vector.shape_cast %get3A_103 : vector<1x16xi32> to vector<16xi32>
      %add3A_105 = vector.broadcast %mul3A_31 : i32 to vector<16xi32>
      %add3A_106 = arith.addi %get3A_104, %add3A_105 : vector<16xi32>
      %mul3A_107 = arith.constant 512 : i32
      %mul3A_108 = arith.muli %scan3A_28, %mul3A_107 : i32
      %add3A_109 = arith.constant 80 : i32
      %add3A_110 = arith.addi %mul3A_108, %add3A_109 : i32
      %swap3A_111 = arith.index_cast %add3A_110 : i32 to index
      %swap3A_112 = tpu.vector_load %arg7[%swap3A_111] {strides = array<i32>} : memref<13312xi32, #tpu.memory_space<vmem>>, vector<16xi32>,
      %swap3A_113 = vector.shape_cast %swap3A_112 : vector<16xi32> to vector<16xi32>
      %swap3A_114 = vector.shape_cast %add3A_106 : vector<16xi32> to vector<16xi32>
      tpu.vector_store %arg7[%swap3A_111], %swap3A_114 {strides = array<i32>} : memref<13312xi32, #tpu.memory_space<vmem>>, vector<16xi32>,
      %get3A_115 = arith.index_cast %scan3A_28 : i32 to index
      %get3A_116 = arith.constant 96 : index
      %get3A_117 = tpu.vector_load %arg6[%get3A_115, %get3A_116] {strides = array<i32>} : memref<26x512xi32, #tpu.memory_space<vmem>>, vector<1x16xi32>,
      %get3A_118 = vector.shape_cast %get3A_117 : vector<1x16xi32> to vector<16xi32>
      %add3A_119 = vector.broadcast %mul3A_31 : i32 to vector<16xi32>
      %add3A_120 = arith.addi %get3A_118, %add3A_119 : vector<16xi32>
      %mul3A_121 = arith.constant 512 : i32
      %mul3A_122 = arith.muli %scan3A_28, %mul3A_121 : i32
      %add3A_123 = arith.constant 96 : i32
      %add3A_124 = arith.addi %mul3A_122, %add3A_123 : i32
      %swap3A_125 = arith.index_cast %add3A_124 : i32 to index
      %swap3A_126 = tpu.vector_load %arg7[%swap3A_125] {strides = array<i32>} : memref<13312xi32, #tpu.memory_space<vmem>>, vector<16xi32>,
      %swap3A_127 = vector.shape_cast %swap3A_126 : vector<16xi32> to vector<16xi32>
      %swap3A_128 = vector.shape_cast %add3A_120 : vector<16xi32> to vector<16xi32>
      tpu.vector_store %arg7[%swap3A_125], %swap3A_128 {strides = array<i32>} : memref<13312xi32, #tpu.memory_space<vmem>>, vector<16xi32>,
      %get3A_129 = arith.index_cast %scan3A_28 : i32 to index
      %get3A_130 = arith.constant 112 : index
      %get3A_131 = tpu.vector_load %arg6[%get3A_129, %get3A_130] {strides = array<i32>} : memref<26x512xi32, #tpu.memory_space<vmem>>, vector<1x16xi32>,
      %get3A_132 = vector.shape_cast %get3A_131 : vector<1x16xi32> to vector<16xi32>
      %add3A_133 = vector.broadcast %mul3A_31 : i32 to vector<16xi32>
      %add3A_134 = arith.addi %get3A_132, %add3A_133 : vector<16xi32>
      %mul3A_135 = arith.constant 512 : i32
      %mul3A_136 = arith.muli %scan3A_28, %mul3A_135 : i32
      %add3A_137 = arith.constant 112 : i32
      %add3A_138 = arith.addi %mul3A_136, %add3A_137 : i32
      %swap3A_139 = arith.index_cast %add3A_138 : i32 to index
      %swap3A_140 = tpu.vector_load %arg7[%swap3A_139] {strides = array<i32>} : memref<13312xi32, #tpu.memory_space<vmem>>, vector<16xi32>,
      %swap3A_141 = vector.shape_cast %swap3A_140 : vector<16xi32> to vector<16xi32>
      %swap3A_142 = vector.shape_cast %add3A_134 : vector<16xi32> to vector<16xi32>
      tpu.vector_store %arg7[%swap3A_139], %swap3A_142 {strides = array<i32>} : memref<13312xi32, #tpu.memory_space<vmem>>, vector<16xi32>,
      %get3A_143 = arith.index_cast %scan3A_28 : i32 to index
      %get3A_144 = arith.constant 128 : index
      %get3A_145 = tpu.vector_load %arg6[%get3A_143, %get3A_144] {strides = array<i32>} : memref<26x512xi32, #tpu.memory_space<vmem>>, vector<1x16xi32>,
      %get3A_146 = vector.shape_cast %get3A_145 : vector<1x16xi32> to vector<16xi32>
      %add3A_147 = vector.broadcast %mul3A_31 : i32 to vector<16xi32>
      %add3A_148 = arith.addi %get3A_146, %add3A_147 : vector<16xi32>
      %mul3A_149 = arith.constant 512 : i32
      %mul3A_150 = arith.muli %scan3A_28, %mul3A_149 : i32
      %add3A_151 = arith.constant 128 : i32
      %add3A_152 = arith.addi %mul3A_150, %add3A_151 : i32
      %swap3A_153 = arith.index_cast %add3A_152 : i32 to index
      %swap3A_154 = tpu.vector_load %arg7[%swap3A_153] {strides = array<i32>} : memref<13312xi32, #tpu.memory_space<vmem>>, vector<16xi32>,
      %swap3A_155 = vector.shape_cast %swap3A_154 : vector<16xi32> to vector<16xi32>
      %swap3A_156 = vector.shape_cast %add3A_148 : vector<16xi32> to vector<16xi32>
      tpu.vector_store %arg7[%swap3A_153], %swap3A_156 {strides = array<i32>} : memref<13312xi32, #tpu.memory_space<vmem>>, vector<16xi32>,
      %get3A_157 = arith.index_cast %scan3A_28 : i32 to index
      %get3A_158 = arith.constant 144 : index
      %get3A_159 = tpu.vector_load %arg6[%get3A_157, %get3A_158] {strides = array<i32>} : memref<26x512xi32, #tpu.memory_space<vmem>>, vector<1x16xi32>,
      %get3A_160 = vector.shape_cast %get3A_159 : vector<1x16xi32> to vector<16xi32>
      %add3A_161 = vector.broadcast %mul3A_31 : i32 to vector<16xi32>
      %add3A_162 = arith.addi %get3A_160, %add3A_161 : vector<16xi32>
      %mul3A_163 = arith.constant 512 : i32
      %mul3A_164 = arith.muli %scan3A_28, %mul3A_163 : i32
      %add3A_165 = arith.constant 144 : i32
      %add3A_166 = arith.addi %mul3A_164, %add3A_165 : i32
      %swap3A_167 = arith.index_cast %add3A_166 : i32 to index
      %swap3A_168 = tpu.vector_load %arg7[%swap3A_167] {strides = array<i32>} : memref<13312xi32, #tpu.memory_space<vmem>>, vector<16xi32>,
      %swap3A_169 = vector.shape_cast %swap3A_168 : vector<16xi32> to vector<16xi32>
      %swap3A_170 = vector.shape_cast %add3A_162 : vector<16xi32> to vector<16xi32>
      tpu.vector_store %arg7[%swap3A_167], %swap3A_170 {strides = array<i32>} : memref<13312xi32, #tpu.memory_space<vmem>>, vector<16xi32>,
      %get3A_171 = arith.index_cast %scan3A_28 : i32 to index
      %get3A_172 = arith.constant 160 : index
      %get3A_173 = tpu.vector_load %arg6[%get3A_171, %get3A_172] {strides = array<i32>} : memref<26x512xi32, #tpu.memory_space<vmem>>, vector<1x16xi32>,
      %get3A_174 = vector.shape_cast %get3A_173 : vector<1x16xi32> to vector<16xi32>
      %add3A_175 = vector.broadcast %mul3A_31 : i32 to vector<16xi32>
      %add3A_176 = arith.addi %get3A_174, %add3A_175 : vector<16xi32>
      %mul3A_177 = arith.constant 512 : i32
      %mul3A_178 = arith.muli %scan3A_28, %mul3A_177 : i32
      %add3A_179 = arith.constant 160 : i32
      %add3A_180 = arith.addi %mul3A_178, %add3A_179 : i32
      %swap3A_181 = arith.index_cast %add3A_180 : i32 to index
      %swap3A_182 = tpu.vector_load %arg7[%swap3A_181] {strides = array<i32>} : memref<13312xi32, #tpu.memory_space<vmem>>, vector<16xi32>,
      %swap3A_183 = vector.shape_cast %swap3A_182 : vector<16xi32> to vector<16xi32>
      %swap3A_184 = vector.shape_cast %add3A_176 : vector<16xi32> to vector<16xi32>
      tpu.vector_store %arg7[%swap3A_181], %swap3A_184 {strides = array<i32>} : memref<13312xi32, #tpu.memory_space<vmem>>, vector<16xi32>,
      %get3A_185 = arith.index_cast %scan3A_28 : i32 to index
      %get3A_186 = arith.constant 176 : index
      %get3A_187 = tpu.vector_load %arg6[%get3A_185, %get3A_186] {strides = array<i32>} : memref<26x512xi32, #tpu.memory_space<vmem>>, vector<1x16xi32>,
      %get3A_188 = vector.shape_cast %get3A_187 : vector<1x16xi32> to vector<16xi32>
      %add3A_189 = vector.broadcast %mul3A_31 : i32 to vector<16xi32>
      %add3A_190 = arith.addi %get3A_188, %add3A_189 : vector<16xi32>
      %mul3A_191 = arith.constant 512 : i32
      %mul3A_192 = arith.muli %scan3A_28, %mul3A_191 : i32
      %add3A_193 = arith.constant 176 : i32
      %add3A_194 = arith.addi %mul3A_192, %add3A_193 : i32
      %swap3A_195 = arith.index_cast %add3A_194 : i32 to index
      %swap3A_196 = tpu.vector_load %arg7[%swap3A_195] {strides = array<i32>} : memref<13312xi32, #tpu.memory_space<vmem>>, vector<16xi32>,
      %swap3A_197 = vector.shape_cast %swap3A_196 : vector<16xi32> to vector<16xi32>
      %swap3A_198 = vector.shape_cast %add3A_190 : vector<16xi32> to vector<16xi32>
      tpu.vector_store %arg7[%swap3A_195], %swap3A_198 {strides = array<i32>} : memref<13312xi32, #tpu.memory_space<vmem>>, vector<16xi32>,
      %get3A_199 = arith.index_cast %scan3A_28 : i32 to index
      %get3A_200 = arith.constant 192 : index
      %get3A_201 = tpu.vector_load %arg6[%get3A_199, %get3A_200] {strides = array<i32>} : memref<26x512xi32, #tpu.memory_space<vmem>>, vector<1x16xi32>,
      %get3A_202 = vector.shape_cast %get3A_201 : vector<1x16xi32> to vector<16xi32>
      %add3A_203 = vector.broadcast %mul3A_31 : i32 to vector<16xi32>
      %add3A_204 = arith.addi %get3A_202, %add3A_203 : vector<16xi32>
      %mul3A_205 = arith.constant 512 : i32
      %mul3A_206 = arith.muli %scan3A_28, %mul3A_205 : i32
      %add3A_207 = arith.constant 192 : i32
      %add3A_208 = arith.addi %mul3A_206, %add3A_207 : i32
      %swap3A_209 = arith.index_cast %add3A_208 : i32 to index
      %swap3A_210 = tpu.vector_load %arg7[%swap3A_209] {strides = array<i32>} : memref<13312xi32, #tpu.memory_space<vmem>>, vector<16xi32>,
      %swap3A_211 = vector.shape_cast %swap3A_210 : vector<16xi32> to vector<16xi32>
      %swap3A_212 = vector.shape_cast %add3A_204 : vector<16xi32> to vector<16xi32>
      tpu.vector_store %arg7[%swap3A_209], %swap3A_212 {strides = array<i32>} : memref<13312xi32, #tpu.memory_space<vmem>>, vector<16xi32>,
      %get3A_213 = arith.index_cast %scan3A_28 : i32 to index
      %get3A_214 = arith.constant 208 : index
      %get3A_215 = tpu.vector_load %arg6[%get3A_213, %get3A_214] {strides = array<i32>} : memref<26x512xi32, #tpu.memory_space<vmem>>, vector<1x16xi32>,
      %get3A_216 = vector.shape_cast %get3A_215 : vector<1x16xi32> to vector<16xi32>
      %add3A_217 = vector.broadcast %mul3A_31 : i32 to vector<16xi32>
      %add3A_218 = arith.addi %get3A_216, %add3A_217 : vector<16xi32>
      %mul3A_219 = arith.constant 512 : i32
      %mul3A_220 = arith.muli %scan3A_28, %mul3A_219 : i32
      %add3A_221 = arith.constant 208 : i32
      %add3A_222 = arith.addi %mul3A_220, %add3A_221 : i32
      %swap3A_223 = arith.index_cast %add3A_222 : i32 to index
      %swap3A_224 = tpu.vector_load %arg7[%swap3A_223] {strides = array<i32>} : memref<13312xi32, #tpu.memory_space<vmem>>, vector<16xi32>,
      %swap3A_225 = vector.shape_cast %swap3A_224 : vector<16xi32> to vector<16xi32>
      %swap3A_226 = vector.shape_cast %add3A_218 : vector<16xi32> to vector<16xi32>
      tpu.vector_store %arg7[%swap3A_223], %swap3A_226 {strides = array<i32>} : memref<13312xi32, #tpu.memory_space<vmem>>, vector<16xi32>,
      %get3A_227 = arith.index_cast %scan3A_28 : i32 to index
      %get3A_228 = arith.constant 224 : index
      %get3A_229 = tpu.vector_load %arg6[%get3A_227, %get3A_228] {strides = array<i32>} : memref<26x512xi32, #tpu.memory_space<vmem>>, vector<1x16xi32>,
      %get3A_230 = vector.shape_cast %get3A_229 : vector<1x16xi32> to vector<16xi32>
      %add3A_231 = vector.broadcast %mul3A_31 : i32 to vector<16xi32>
      %add3A_232 = arith.addi %get3A_230, %add3A_231 : vector<16xi32>
      %mul3A_233 = arith.constant 512 : i32
      %mul3A_234 = arith.muli %scan3A_28, %mul3A_233 : i32
      %add3A_235 = arith.constant 224 : i32
      %add3A_236 = arith.addi %mul3A_234, %add3A_235 : i32
      %swap3A_237 = arith.index_cast %add3A_236 : i32 to index
      %swap3A_238 = tpu.vector_load %arg7[%swap3A_237] {strides = array<i32>} : memref<13312xi32, #tpu.memory_space<vmem>>, vector<16xi32>,
      %swap3A_239 = vector.shape_cast %swap3A_238 : vector<16xi32> to vector<16xi32>
      %swap3A_240 = vector.shape_cast %add3A_232 : vector<16xi32> to vector<16xi32>
      tpu.vector_store %arg7[%swap3A_237], %swap3A_240 {strides = array<i32>} : memref<13312xi32, #tpu.memory_space<vmem>>, vector<16xi32>,
      %get3A_241 = arith.index_cast %scan3A_28 : i32 to index
      %get3A_242 = arith.constant 240 : index
      %get3A_243 = tpu.vector_load %arg6[%get3A_241, %get3A_242] {strides = array<i32>} : memref<26x512xi32, #tpu.memory_space<vmem>>, vector<1x16xi32>,
      %get3A_244 = vector.shape_cast %get3A_243 : vector<1x16xi32> to vector<16xi32>
      %add3A_245 = vector.broadcast %mul3A_31 : i32 to vector<16xi32>
      %add3A_246 = arith.addi %get3A_244, %add3A_245 : vector<16xi32>
      %mul3A_247 = arith.constant 512 : i32
      %mul3A_248 = arith.muli %scan3A_28, %mul3A_247 : i32
      %add3A_249 = arith.constant 240 : i32
      %add3A_250 = arith.addi %mul3A_248, %add3A_249 : i32
      %swap3A_251 = arith.index_cast %add3A_250 : i32 to index
      %swap3A_252 = tpu.vector_load %arg7[%swap3A_251] {strides = array<i32>} : memref<13312xi32, #tpu.memory_space<vmem>>, vector<16xi32>,
      %swap3A_253 = vector.shape_cast %swap3A_252 : vector<16xi32> to vector<16xi32>
      %swap3A_254 = vector.shape_cast %add3A_246 : vector<16xi32> to vector<16xi32>
      tpu.vector_store %arg7[%swap3A_251], %swap3A_254 {strides = array<i32>} : memref<13312xi32, #tpu.memory_space<vmem>>, vector<16xi32>,
      %get3A_255 = arith.index_cast %scan3A_28 : i32 to index
      %get3A_256 = arith.constant 256 : index
      %get3A_257 = tpu.vector_load %arg6[%get3A_255, %get3A_256] {strides = array<i32>} : memref<26x512xi32, #tpu.memory_space<vmem>>, vector<1x16xi32>,
      %get3A_258 = vector.shape_cast %get3A_257 : vector<1x16xi32> to vector<16xi32>
      %add3A_259 = vector.broadcast %mul3A_31 : i32 to vector<16xi32>
      %add3A_260 = arith.addi %get3A_258, %add3A_259 : vector<16xi32>
      %mul3A_261 = arith.constant 512 : i32
      %mul3A_262 = arith.muli %scan3A_28, %mul3A_261 : i32
      %add3A_263 = arith.constant 256 : i32
      %add3A_264 = arith.addi %mul3A_262, %add3A_263 : i32
      %swap3A_265 = arith.index_cast %add3A_264 : i32 to index
      %swap3A_266 = tpu.vector_load %arg7[%swap3A_265] {strides = array<i32>} : memref<13312xi32, #tpu.memory_space<vmem>>, vector<16xi32>,
      %swap3A_267 = vector.shape_cast %swap3A_266 : vector<16xi32> to vector<16xi32>
      %swap3A_268 = vector.shape_cast %add3A_260 : vector<16xi32> to vector<16xi32>
      tpu.vector_store %arg7[%swap3A_265], %swap3A_268 {strides = array<i32>} : memref<13312xi32, #tpu.memory_space<vmem>>, vector<16xi32>,
      %get3A_269 = arith.index_cast %scan3A_28 : i32 to index
      %get3A_270 = arith.constant 272 : index
      %get3A_271 = tpu.vector_load %arg6[%get3A_269, %get3A_270] {strides = array<i32>} : memref<26x512xi32, #tpu.memory_space<vmem>>, vector<1x16xi32>,
      %get3A_272 = vector.shape_cast %get3A_271 : vector<1x16xi32> to vector<16xi32>
      %add3A_273 = vector.broadcast %mul3A_31 : i32 to vector<16xi32>
      %add3A_274 = arith.addi %get3A_272, %add3A_273 : vector<16xi32>
      %mul3A_275 = arith.constant 512 : i32
      %mul3A_276 = arith.muli %scan3A_28, %mul3A_275 : i32
      %add3A_277 = arith.constant 272 : i32
      %add3A_278 = arith.addi %mul3A_276, %add3A_277 : i32
      %swap3A_279 = arith.index_cast %add3A_278 : i32 to index
      %swap3A_280 = tpu.vector_load %arg7[%swap3A_279] {strides = array<i32>} : memref<13312xi32, #tpu.memory_space<vmem>>, vector<16xi32>,
      %swap3A_281 = vector.shape_cast %swap3A_280 : vector<16xi32> to vector<16xi32>
      %swap3A_282 = vector.shape_cast %add3A_274 : vector<16xi32> to vector<16xi32>
      tpu.vector_store %arg7[%swap3A_279], %swap3A_282 {strides = array<i32>} : memref<13312xi32, #tpu.memory_space<vmem>>, vector<16xi32>,
      %get3A_283 = arith.index_cast %scan3A_28 : i32 to index
      %get3A_284 = arith.constant 288 : index
      %get3A_285 = tpu.vector_load %arg6[%get3A_283, %get3A_284] {strides = array<i32>} : memref<26x512xi32, #tpu.memory_space<vmem>>, vector<1x16xi32>,
      %get3A_286 = vector.shape_cast %get3A_285 : vector<1x16xi32> to vector<16xi32>
      %add3A_287 = vector.broadcast %mul3A_31 : i32 to vector<16xi32>
      %add3A_288 = arith.addi %get3A_286, %add3A_287 : vector<16xi32>
      %mul3A_289 = arith.constant 512 : i32
      %mul3A_290 = arith.muli %scan3A_28, %mul3A_289 : i32
      %add3A_291 = arith.constant 288 : i32
      %add3A_292 = arith.addi %mul3A_290, %add3A_291 : i32
      %swap3A_293 = arith.index_cast %add3A_292 : i32 to index
      %swap3A_294 = tpu.vector_load %arg7[%swap3A_293] {strides = array<i32>} : memref<13312xi32, #tpu.memory_space<vmem>>, vector<16xi32>,
      %swap3A_295 = vector.shape_cast %swap3A_294 : vector<16xi32> to vector<16xi32>
      %swap3A_296 = vector.shape_cast %add3A_288 : vector<16xi32> to vector<16xi32>
      tpu.vector_store %arg7[%swap3A_293], %swap3A_296 {strides = array<i32>} : memref<13312xi32, #tpu.memory_space<vmem>>, vector<16xi32>,
      %get3A_297 = arith.index_cast %scan3A_28 : i32 to index
      %get3A_298 = arith.constant 304 : index
      %get3A_299 = tpu.vector_load %arg6[%get3A_297, %get3A_298] {strides = array<i32>} : memref<26x512xi32, #tpu.memory_space<vmem>>, vector<1x16xi32>,
      %get3A_300 = vector.shape_cast %get3A_299 : vector<1x16xi32> to vector<16xi32>
      %add3A_301 = vector.broadcast %mul3A_31 : i32 to vector<16xi32>
      %add3A_302 = arith.addi %get3A_300, %add3A_301 : vector<16xi32>
      %mul3A_303 = arith.constant 512 : i32
      %mul3A_304 = arith.muli %scan3A_28, %mul3A_303 : i32
      %add3A_305 = arith.constant 304 : i32
      %add3A_306 = arith.addi %mul3A_304, %add3A_305 : i32
      %swap3A_307 = arith.index_cast %add3A_306 : i32 to index
      %swap3A_308 = tpu.vector_load %arg7[%swap3A_307] {strides = array<i32>} : memref<13312xi32, #tpu.memory_space<vmem>>, vector<16xi32>,
      %swap3A_309 = vector.shape_cast %swap3A_308 : vector<16xi32> to vector<16xi32>
      %swap3A_310 = vector.shape_cast %add3A_302 : vector<16xi32> to vector<16xi32>
      tpu.vector_store %arg7[%swap3A_307], %swap3A_310 {strides = array<i32>} : memref<13312xi32, #tpu.memory_space<vmem>>, vector<16xi32>,
      %get3A_311 = arith.index_cast %scan3A_28 : i32 to index
      %get3A_312 = arith.constant 320 : index
      %get3A_313 = tpu.vector_load %arg6[%get3A_311, %get3A_312] {strides = array<i32>} : memref<26x512xi32, #tpu.memory_space<vmem>>, vector<1x16xi32>,
      %get3A_314 = vector.shape_cast %get3A_313 : vector<1x16xi32> to vector<16xi32>
      %add3A_315 = vector.broadcast %mul3A_31 : i32 to vector<16xi32>
      %add3A_316 = arith.addi %get3A_314, %add3A_315 : vector<16xi32>
      %mul3A_317 = arith.constant 512 : i32
      %mul3A_318 = arith.muli %scan3A_28, %mul3A_317 : i32
      %add3A_319 = arith.constant 320 : i32
      %add3A_320 = arith.addi %mul3A_318, %add3A_319 : i32
      %swap3A_321 = arith.index_cast %add3A_320 : i32 to index
      %swap3A_322 = tpu.vector_load %arg7[%swap3A_321] {strides = array<i32>} : memref<13312xi32, #tpu.memory_space<vmem>>, vector<16xi32>,
      %swap3A_323 = vector.shape_cast %swap3A_322 : vector<16xi32> to vector<16xi32>
      %swap3A_324 = vector.shape_cast %add3A_316 : vector<16xi32> to vector<16xi32>
      tpu.vector_store %arg7[%swap3A_321], %swap3A_324 {strides = array<i32>} : memref<13312xi32, #tpu.memory_space<vmem>>, vector<16xi32>,
      %get3A_325 = arith.index_cast %scan3A_28 : i32 to index
      %get3A_326 = arith.constant 336 : index
      %get3A_327 = tpu.vector_load %arg6[%get3A_325, %get3A_326] {strides = array<i32>} : memref<26x512xi32, #tpu.memory_space<vmem>>, vector<1x16xi32>,
      %get3A_328 = vector.shape_cast %get3A_327 : vector<1x16xi32> to vector<16xi32>
      %add3A_329 = vector.broadcast %mul3A_31 : i32 to vector<16xi32>
      %add3A_330 = arith.addi %get3A_328, %add3A_329 : vector<16xi32>
      %mul3A_331 = arith.constant 512 : i32
      %mul3A_332 = arith.muli %scan3A_28, %mul3A_331 : i32
      %add3A_333 = arith.constant 336 : i32
      %add3A_334 = arith.addi %mul3A_332, %add3A_333 : i32
      %swap3A_335 = arith.index_cast %add3A_334 : i32 to index
      %swap3A_336 = tpu.vector_load %arg7[%swap3A_335] {strides = array<i32>} : memref<13312xi32, #tpu.memory_space<vmem>>, vector<16xi32>,
      %swap3A_337 = vector.shape_cast %swap3A_336 : vector<16xi32> to vector<16xi32>
      %swap3A_338 = vector.shape_cast %add3A_330 : vector<16xi32> to vector<16xi32>
      tpu.vector_store %arg7[%swap3A_335], %swap3A_338 {strides = array<i32>} : memref<13312xi32, #tpu.memory_space<vmem>>, vector<16xi32>,
      %get3A_339 = arith.index_cast %scan3A_28 : i32 to index
      %get3A_340 = arith.constant 352 : index
      %get3A_341 = tpu.vector_load %arg6[%get3A_339, %get3A_340] {strides = array<i32>} : memref<26x512xi32, #tpu.memory_space<vmem>>, vector<1x16xi32>,
      %get3A_342 = vector.shape_cast %get3A_341 : vector<1x16xi32> to vector<16xi32>
      %add3A_343 = vector.broadcast %mul3A_31 : i32 to vector<16xi32>
      %add3A_344 = arith.addi %get3A_342, %add3A_343 : vector<16xi32>
      %mul3A_345 = arith.constant 512 : i32
      %mul3A_346 = arith.muli %scan3A_28, %mul3A_345 : i32
      %add3A_347 = arith.constant 352 : i32
      %add3A_348 = arith.addi %mul3A_346, %add3A_347 : i32
      %swap3A_349 = arith.index_cast %add3A_348 : i32 to index
      %swap3A_350 = tpu.vector_load %arg7[%swap3A_349] {strides = array<i32>} : memref<13312xi32, #tpu.memory_space<vmem>>, vector<16xi32>,
      %swap3A_351 = vector.shape_cast %swap3A_350 : vector<16xi32> to vector<16xi32>
      %swap3A_352 = vector.shape_cast %add3A_344 : vector<16xi32> to vector<16xi32>
      tpu.vector_store %arg7[%swap3A_349], %swap3A_352 {strides = array<i32>} : memref<13312xi32, #tpu.memory_space<vmem>>, vector<16xi32>,
      %get3A_353 = arith.index_cast %scan3A_28 : i32 to index
      %get3A_354 = arith.constant 368 : index
      %get3A_355 = tpu.vector_load %arg6[%get3A_353, %get3A_354] {strides = array<i32>} : memref<26x512xi32, #tpu.memory_space<vmem>>, vector<1x16xi32>,
      %get3A_356 = vector.shape_cast %get3A_355 : vector<1x16xi32> to vector<16xi32>
      %add3A_357 = vector.broadcast %mul3A_31 : i32 to vector<16xi32>
      %add3A_358 = arith.addi %get3A_356, %add3A_357 : vector<16xi32>
      %mul3A_359 = arith.constant 512 : i32
      %mul3A_360 = arith.muli %scan3A_28, %mul3A_359 : i32
      %add3A_361 = arith.constant 368 : i32
      %add3A_362 = arith.addi %mul3A_360, %add3A_361 : i32
      %swap3A_363 = arith.index_cast %add3A_362 : i32 to index
      %swap3A_364 = tpu.vector_load %arg7[%swap3A_363] {strides = array<i32>} : memref<13312xi32, #tpu.memory_space<vmem>>, vector<16xi32>,
      %swap3A_365 = vector.shape_cast %swap3A_364 : vector<16xi32> to vector<16xi32>
      %swap3A_366 = vector.shape_cast %add3A_358 : vector<16xi32> to vector<16xi32>
      tpu.vector_store %arg7[%swap3A_363], %swap3A_366 {strides = array<i32>} : memref<13312xi32, #tpu.memory_space<vmem>>, vector<16xi32>,
      %get3A_367 = arith.index_cast %scan3A_28 : i32 to index
      %get3A_368 = arith.constant 384 : index
      %get3A_369 = tpu.vector_load %arg6[%get3A_367, %get3A_368] {strides = array<i32>} : memref<26x512xi32, #tpu.memory_space<vmem>>, vector<1x16xi32>,
      %get3A_370 = vector.shape_cast %get3A_369 : vector<1x16xi32> to vector<16xi32>
      %add3A_371 = vector.broadcast %mul3A_31 : i32 to vector<16xi32>
      %add3A_372 = arith.addi %get3A_370, %add3A_371 : vector<16xi32>
      %mul3A_373 = arith.constant 512 : i32
      %mul3A_374 = arith.muli %scan3A_28, %mul3A_373 : i32
      %add3A_375 = arith.constant 384 : i32
      %add3A_376 = arith.addi %mul3A_374, %add3A_375 : i32
      %swap3A_377 = arith.index_cast %add3A_376 : i32 to index
      %swap3A_378 = tpu.vector_load %arg7[%swap3A_377] {strides = array<i32>} : memref<13312xi32, #tpu.memory_space<vmem>>, vector<16xi32>,
      %swap3A_379 = vector.shape_cast %swap3A_378 : vector<16xi32> to vector<16xi32>
      %swap3A_380 = vector.shape_cast %add3A_372 : vector<16xi32> to vector<16xi32>
      tpu.vector_store %arg7[%swap3A_377], %swap3A_380 {strides = array<i32>} : memref<13312xi32, #tpu.memory_space<vmem>>, vector<16xi32>,
      %get3A_381 = arith.index_cast %scan3A_28 : i32 to index
      %get3A_382 = arith.constant 400 : index
      %get3A_383 = tpu.vector_load %arg6[%get3A_381, %get3A_382] {strides = array<i32>} : memref<26x512xi32, #tpu.memory_space<vmem>>, vector<1x16xi32>,
      %get3A_384 = vector.shape_cast %get3A_383 : vector<1x16xi32> to vector<16xi32>
      %add3A_385 = vector.broadcast %mul3A_31 : i32 to vector<16xi32>
      %add3A_386 = arith.addi %get3A_384, %add3A_385 : vector<16xi32>
      %mul3A_387 = arith.constant 512 : i32
      %mul3A_388 = arith.muli %scan3A_28, %mul3A_387 : i32
      %add3A_389 = arith.constant 400 : i32
      %add3A_390 = arith.addi %mul3A_388, %add3A_389 : i32
      %swap3A_391 = arith.index_cast %add3A_390 : i32 to index
      %swap3A_392 = tpu.vector_load %arg7[%swap3A_391] {strides = array<i32>} : memref<13312xi32, #tpu.memory_space<vmem>>, vector<16xi32>,
      %swap3A_393 = vector.shape_cast %swap3A_392 : vector<16xi32> to vector<16xi32>
      %swap3A_394 = vector.shape_cast %add3A_386 : vector<16xi32> to vector<16xi32>
      tpu.vector_store %arg7[%swap3A_391], %swap3A_394 {strides = array<i32>} : memref<13312xi32, #tpu.memory_space<vmem>>, vector<16xi32>,
      %get3A_395 = arith.index_cast %scan3A_28 : i32 to index
      %get3A_396 = arith.constant 416 : index
      %get3A_397 = tpu.vector_load %arg6[%get3A_395, %get3A_396] {strides = array<i32>} : memref<26x512xi32, #tpu.memory_space<vmem>>, vector<1x16xi32>,
      %get3A_398 = vector.shape_cast %get3A_397 : vector<1x16xi32> to vector<16xi32>
      %add3A_399 = vector.broadcast %mul3A_31 : i32 to vector<16xi32>
      %add3A_400 = arith.addi %get3A_398, %add3A_399 : vector<16xi32>
      %mul3A_401 = arith.constant 512 : i32
      %mul3A_402 = arith.muli %scan3A_28, %mul3A_401 : i32
      %add3A_403 = arith.constant 416 : i32
      %add3A_404 = arith.addi %mul3A_402, %add3A_403 : i32
      %swap3A_405 = arith.index_cast %add3A_404 : i32 to index
      %swap3A_406 = tpu.vector_load %arg7[%swap3A_405] {strides = array<i32>} : memref<13312xi32, #tpu.memory_space<vmem>>, vector<16xi32>,
      %swap3A_407 = vector.shape_cast %swap3A_406 : vector<16xi32> to vector<16xi32>
      %swap3A_408 = vector.shape_cast %add3A_400 : vector<16xi32> to vector<16xi32>
      tpu.vector_store %arg7[%swap3A_405], %swap3A_408 {strides = array<i32>} : memref<13312xi32, #tpu.memory_space<vmem>>, vector<16xi32>,
      %get3A_409 = arith.index_cast %scan3A_28 : i32 to index
      %get3A_410 = arith.constant 432 : index
      %get3A_411 = tpu.vector_load %arg6[%get3A_409, %get3A_410] {strides = array<i32>} : memref<26x512xi32, #tpu.memory_space<vmem>>, vector<1x16xi32>,
      %get3A_412 = vector.shape_cast %get3A_411 : vector<1x16xi32> to vector<16xi32>
      %add3A_413 = vector.broadcast %mul3A_31 : i32 to vector<16xi32>
      %add3A_414 = arith.addi %get3A_412, %add3A_413 : vector<16xi32>
      %mul3A_415 = arith.constant 512 : i32
      %mul3A_416 = arith.muli %scan3A_28, %mul3A_415 : i32
      %add3A_417 = arith.constant 432 : i32
      %add3A_418 = arith.addi %mul3A_416, %add3A_417 : i32
      %swap3A_419 = arith.index_cast %add3A_418 : i32 to index
      %swap3A_420 = tpu.vector_load %arg7[%swap3A_419] {strides = array<i32>} : memref<13312xi32, #tpu.memory_space<vmem>>, vector<16xi32>,
      %swap3A_421 = vector.shape_cast %swap3A_420 : vector<16xi32> to vector<16xi32>
      %swap3A_422 = vector.shape_cast %add3A_414 : vector<16xi32> to vector<16xi32>
      tpu.vector_store %arg7[%swap3A_419], %swap3A_422 {strides = array<i32>} : memref<13312xi32, #tpu.memory_space<vmem>>, vector<16xi32>,
      %get3A_423 = arith.index_cast %scan3A_28 : i32 to index
      %get3A_424 = arith.constant 448 : index
      %get3A_425 = tpu.vector_load %arg6[%get3A_423, %get3A_424] {strides = array<i32>} : memref<26x512xi32, #tpu.memory_space<vmem>>, vector<1x16xi32>,
      %get3A_426 = vector.shape_cast %get3A_425 : vector<1x16xi32> to vector<16xi32>
      %add3A_427 = vector.broadcast %mul3A_31 : i32 to vector<16xi32>
      %add3A_428 = arith.addi %get3A_426, %add3A_427 : vector<16xi32>
      %mul3A_429 = arith.constant 512 : i32
      %mul3A_430 = arith.muli %scan3A_28, %mul3A_429 : i32
      %add3A_431 = arith.constant 448 : i32
      %add3A_432 = arith.addi %mul3A_430, %add3A_431 : i32
      %swap3A_433 = arith.index_cast %add3A_432 : i32 to index
      %swap3A_434 = tpu.vector_load %arg7[%swap3A_433] {strides = array<i32>} : memref<13312xi32, #tpu.memory_space<vmem>>, vector<16xi32>,
      %swap3A_435 = vector.shape_cast %swap3A_434 : vector<16xi32> to vector<16xi32>
      %swap3A_436 = vector.shape_cast %add3A_428 : vector<16xi32> to vector<16xi32>
      tpu.vector_store %arg7[%swap3A_433], %swap3A_436 {strides = array<i32>} : memref<13312xi32, #tpu.memory_space<vmem>>, vector<16xi32>,
      %get3A_437 = arith.index_cast %scan3A_28 : i32 to index
      %get3A_438 = arith.constant 464 : index
      %get3A_439 = tpu.vector_load %arg6[%get3A_437, %get3A_438] {strides = array<i32>} : memref<26x512xi32, #tpu.memory_space<vmem>>, vector<1x16xi32>,
      %get3A_440 = vector.shape_cast %get3A_439 : vector<1x16xi32> to vector<16xi32>
      %add3A_441 = vector.broadcast %mul3A_31 : i32 to vector<16xi32>
      %add3A_442 = arith.addi %get3A_440, %add3A_441 : vector<16xi32>
      %mul3A_443 = arith.constant 512 : i32
      %mul3A_444 = arith.muli %scan3A_28, %mul3A_443 : i32
      %add3A_445 = arith.constant 464 : i32
      %add3A_446 = arith.addi %mul3A_444, %add3A_445 : i32
      %swap3A_447 = arith.index_cast %add3A_446 : i32 to index
      %swap3A_448 = tpu.vector_load %arg7[%swap3A_447] {strides = array<i32>} : memref<13312xi32, #tpu.memory_space<vmem>>, vector<16xi32>,
      %swap3A_449 = vector.shape_cast %swap3A_448 : vector<16xi32> to vector<16xi32>
      %swap3A_450 = vector.shape_cast %add3A_442 : vector<16xi32> to vector<16xi32>
      tpu.vector_store %arg7[%swap3A_447], %swap3A_450 {strides = array<i32>} : memref<13312xi32, #tpu.memory_space<vmem>>, vector<16xi32>,
      %get3A_451 = arith.index_cast %scan3A_28 : i32 to index
      %get3A_452 = arith.constant 480 : index
      %get3A_453 = tpu.vector_load %arg6[%get3A_451, %get3A_452] {strides = array<i32>} : memref<26x512xi32, #tpu.memory_space<vmem>>, vector<1x16xi32>,
      %get3A_454 = vector.shape_cast %get3A_453 : vector<1x16xi32> to vector<16xi32>
      %add3A_455 = vector.broadcast %mul3A_31 : i32 to vector<16xi32>
      %add3A_456 = arith.addi %get3A_454, %add3A_455 : vector<16xi32>
      %mul3A_457 = arith.constant 512 : i32
      %mul3A_458 = arith.muli %scan3A_28, %mul3A_457 : i32
      %add3A_459 = arith.constant 480 : i32
      %add3A_460 = arith.addi %mul3A_458, %add3A_459 : i32
      %swap3A_461 = arith.index_cast %add3A_460 : i32 to index
      %swap3A_462 = tpu.vector_load %arg7[%swap3A_461] {strides = array<i32>} : memref<13312xi32, #tpu.memory_space<vmem>>, vector<16xi32>,
      %swap3A_463 = vector.shape_cast %swap3A_462 : vector<16xi32> to vector<16xi32>
      %swap3A_464 = vector.shape_cast %add3A_456 : vector<16xi32> to vector<16xi32>
      tpu.vector_store %arg7[%swap3A_461], %swap3A_464 {strides = array<i32>} : memref<13312xi32, #tpu.memory_space<vmem>>, vector<16xi32>,
      %get3A_465 = arith.index_cast %scan3A_28 : i32 to index
      %get3A_466 = arith.constant 496 : index
      %get3A_467 = tpu.vector_load %arg6[%get3A_465, %get3A_466] {strides = array<i32>} : memref<26x512xi32, #tpu.memory_space<vmem>>, vector<1x16xi32>,
      %get3A_468 = vector.shape_cast %get3A_467 : vector<1x16xi32> to vector<16xi32>
      %add3A_469 = vector.broadcast %mul3A_31 : i32 to vector<16xi32>
      %add3A_470 = arith.addi %get3A_468, %add3A_469 : vector<16xi32>
      %mul3A_471 = arith.constant 512 : i32
      %mul3A_472 = arith.muli %scan3A_28, %mul3A_471 : i32
      %add3A_473 = arith.constant 496 : i32
      %add3A_474 = arith.addi %mul3A_472, %add3A_473 : i32
      %swap3A_475 = arith.index_cast %add3A_474 : i32 to index
      %swap3A_476 = tpu.vector_load %arg7[%swap3A_475] {strides = array<i32>} : memref<13312xi32, #tpu.memory_space<vmem>>, vector<16xi32>,
      %swap3A_477 = vector.shape_cast %swap3A_476 : vector<16xi32> to vector<16xi32>
      %swap3A_478 = vector.shape_cast %add3A_470 : vector<16xi32> to vector<16xi32>
      tpu.vector_store %arg7[%swap3A_475], %swap3A_478 {strides = array<i32>} : memref<13312xi32, #tpu.memory_space<vmem>>, vector<16xi32>,
      %mul3A_479 = arith.constant 512 : i32
      %mul3A_480 = arith.muli %scan3A_28, %mul3A_479 : i32
      %mul3A_481 = arith.constant 512 : i32
      %mul3A_482 = arith.muli %scan3A_28, %mul3A_481 : i32
      %dma_start3A = arith.constant 0 : i32
      %dma_start3A_483 = tpu.memref_slice %arg8[%mul3A_482] : memref<13312xf32, #tpu.memory_space<vmem>> -> memref<512xf32, #tpu.memory_space<vmem>>
      %dma_start3A_484 = tpu.memref_slice %arg7[%mul3A_480] : memref<13312xi32, #tpu.memory_space<vmem>> -> memref<512xi32, #tpu.memory_space<vmem>>
      %dma_start3A_485 = arith.constant 0 : i32
      %dma_start3A_486 = tpu.memref_slice %arg3[%dma_start3A, %dma_start3A_485] : memref<1x1040000xf32, #tpu.memory_space<hbm>> -> memref<1x1040000xf32, #tpu.memory_space<hbm>>
      %dma_start3A_487 = tpu.memref_squeeze %dma_start3A_486 : memref<1x1040000xf32, #tpu.memory_space<hbm>> -> memref<1040000xf32, #tpu.memory_space<hbm>>
      %dma_start3A_488 = arith.constant 0 : i32
      %dma_start3A_489 = tpu.memref_slice %dma_start3A_487[%dma_start3A_488] : memref<1040000xf32, #tpu.memory_space<hbm>> -> memref<1040000xf32, #tpu.memory_space<hbm>>
      tpu.enqueue_indirect_dma source(%dma_start3A_489 : memref<1040000xf32, #tpu.memory_space<hbm>>) target(%dma_start3A_483 : memref<512xf32, #tpu.memory_space<vmem>>) offsets(%dma_start3A_484 : memref<512xi32, #tpu.memory_space<vmem>>) semaphore(%arg11 : memref<!tpu.dma_semaphore, #tpu.memory_space<semaphore_mem>>)
      %scan3A_490 = arith.constant 0 : i32
      scf.yield %scan3A_490 : i32
    }
    %scan3A_8 = arith.constant 26 : i32
    %dma_wait3A = arith.constant 0 : i32
    %dma_wait3A_9 = arith.constant 0 : i32
    %dma_wait3A_10 = tpu.memref_slice %arg3[%dma_wait3A, %dma_wait3A_9] : memref<1x1040000xf32, #tpu.memory_space<hbm>> -> memref<1x1040000xf32, #tpu.memory_space<hbm>>
    %dma_wait3A_11 = tpu.memref_squeeze %dma_wait3A_10 : memref<1x1040000xf32, #tpu.memory_space<hbm>> -> memref<1040000xf32, #tpu.memory_space<hbm>>
    %dma_wait3A_12 = arith.constant 0 : i32
    %dma_wait3A_13 = tpu.memref_slice %dma_wait3A_11[%dma_wait3A_12] : memref<1040000xf32, #tpu.memory_space<hbm>> -> memref<13312xf32, #tpu.memory_space<hbm>>
    %dma_wait3A_14 = arith.constant 0 : i32
    %dma_wait3A_15 = tpu.memref_slice %arg3[%dma_wait3A, %dma_wait3A_14] : memref<1x1040000xf32, #tpu.memory_space<hbm>> -> memref<1x1040000xf32, #tpu.memory_space<hbm>>
    %dma_wait3A_16 = tpu.memref_squeeze %dma_wait3A_15 : memref<1x1040000xf32, #tpu.memory_space<hbm>> -> memref<1040000xf32, #tpu.memory_space<hbm>>
    %dma_wait3A_17 = arith.constant 0 : i32
    %dma_wait3A_18 = tpu.memref_slice %dma_wait3A_16[%dma_wait3A_17] : memref<1040000xf32, #tpu.memory_space<hbm>> -> memref<13312xf32, #tpu.memory_space<hbm>>
    tpu.wait_dma2 semaphore(%arg11 : memref<!tpu.dma_semaphore, #tpu.memory_space<semaphore_mem>>) src(%dma_wait3A_18 : memref<13312xf32, #tpu.memory_space<hbm>>) dst(%arg8 : memref<13312xf32, #tpu.memory_space<vmem>>)
    %get3A = arith.constant 0 : index
    %get3A_19 = tpu.vector_load %arg10[%get3A] {strides = array<i32>} : memref<16xf32, #tpu.memory_space<vmem>>, vector<16xf32>,
    %get3A_20 = vector.shape_cast %get3A_19 : vector<16xf32> to vector<16xf32>
    %scan3A_21 = arith.constant 0 : i32
    %scan3A_22 = arith.constant 0 : i32
    %scan3A_23 = arith.constant 32 : i32
    %scan3A_24 = arith.addi %scan3A_22, %scan3A_23 : i32
    %scan3A_25 = arith.constant 1 : i32
    %scan3A_26 = scf.for %scan3A_28 = %scan3A_22 to %scan3A_24 step %scan3A_25 iter_args(%scan3A_29 = %scan3A_21) -> (i32)  : i32 {
      %mul3A_30 = arith.constant 16 : i32
      %mul3A_31 = arith.muli %scan3A_28, %mul3A_30 : i32
      %add3A_32 = arith.constant 0 : i32
      %add3A_33 = arith.addi %add3A_32, %mul3A_31 : i32
      %get3A_34 = arith.index_cast %add3A_33 : i32 to index
      %get3A_35 = tpu.vector_load %arg8[%get3A_34] {strides = array<i32>} : memref<13312xf32, #tpu.memory_space<vmem>>, vector<16xf32>,
      %get3A_36 = vector.shape_cast %get3A_35 : vector<16xf32> to vector<16xf32>
      %add3A_37 = arith.addf %get3A_20, %get3A_36 : vector<16xf32>
      %add3A_38 = arith.constant 512 : i32
      %add3A_39 = arith.addi %add3A_38, %mul3A_31 : i32
      %get3A_40 = arith.index_cast %add3A_39 : i32 to index
      %get3A_41 = tpu.vector_load %arg8[%get3A_40] {strides = array<i32>} : memref<13312xf32, #tpu.memory_space<vmem>>, vector<16xf32>,
      %get3A_42 = vector.shape_cast %get3A_41 : vector<16xf32> to vector<16xf32>
      %add3A_43 = arith.addf %add3A_37, %get3A_42 : vector<16xf32>
      %add3A_44 = arith.constant 1024 : i32
      %add3A_45 = arith.addi %add3A_44, %mul3A_31 : i32
      %get3A_46 = arith.index_cast %add3A_45 : i32 to index
      %get3A_47 = tpu.vector_load %arg8[%get3A_46] {strides = array<i32>} : memref<13312xf32, #tpu.memory_space<vmem>>, vector<16xf32>,
      %get3A_48 = vector.shape_cast %get3A_47 : vector<16xf32> to vector<16xf32>
      %add3A_49 = arith.addf %add3A_43, %get3A_48 : vector<16xf32>
      %add3A_50 = arith.constant 1536 : i32
      %add3A_51 = arith.addi %add3A_50, %mul3A_31 : i32
      %get3A_52 = arith.index_cast %add3A_51 : i32 to index
      %get3A_53 = tpu.vector_load %arg8[%get3A_52] {strides = array<i32>} : memref<13312xf32, #tpu.memory_space<vmem>>, vector<16xf32>,
      %get3A_54 = vector.shape_cast %get3A_53 : vector<16xf32> to vector<16xf32>
      %add3A_55 = arith.addf %add3A_49, %get3A_54 : vector<16xf32>
      %add3A_56 = arith.constant 2048 : i32
      %add3A_57 = arith.addi %add3A_56, %mul3A_31 : i32
      %get3A_58 = arith.index_cast %add3A_57 : i32 to index
      %get3A_59 = tpu.vector_load %arg8[%get3A_58] {strides = array<i32>} : memref<13312xf32, #tpu.memory_space<vmem>>, vector<16xf32>,
      %get3A_60 = vector.shape_cast %get3A_59 : vector<16xf32> to vector<16xf32>
      %add3A_61 = arith.addf %add3A_55, %get3A_60 : vector<16xf32>
      %add3A_62 = arith.constant 2560 : i32
      %add3A_63 = arith.addi %add3A_62, %mul3A_31 : i32
      %get3A_64 = arith.index_cast %add3A_63 : i32 to index
      %get3A_65 = tpu.vector_load %arg8[%get3A_64] {strides = array<i32>} : memref<13312xf32, #tpu.memory_space<vmem>>, vector<16xf32>,
      %get3A_66 = vector.shape_cast %get3A_65 : vector<16xf32> to vector<16xf32>
      %add3A_67 = arith.addf %add3A_61, %get3A_66 : vector<16xf32>
      %add3A_68 = arith.constant 3072 : i32
      %add3A_69 = arith.addi %add3A_68, %mul3A_31 : i32
      %get3A_70 = arith.index_cast %add3A_69 : i32 to index
      %get3A_71 = tpu.vector_load %arg8[%get3A_70] {strides = array<i32>} : memref<13312xf32, #tpu.memory_space<vmem>>, vector<16xf32>,
      %get3A_72 = vector.shape_cast %get3A_71 : vector<16xf32> to vector<16xf32>
      %add3A_73 = arith.addf %add3A_67, %get3A_72 : vector<16xf32>
      %add3A_74 = arith.constant 3584 : i32
      %add3A_75 = arith.addi %add3A_74, %mul3A_31 : i32
      %get3A_76 = arith.index_cast %add3A_75 : i32 to index
      %get3A_77 = tpu.vector_load %arg8[%get3A_76] {strides = array<i32>} : memref<13312xf32, #tpu.memory_space<vmem>>, vector<16xf32>,
      %get3A_78 = vector.shape_cast %get3A_77 : vector<16xf32> to vector<16xf32>
      %add3A_79 = arith.addf %add3A_73, %get3A_78 : vector<16xf32>
      %add3A_80 = arith.constant 4096 : i32
      %add3A_81 = arith.addi %add3A_80, %mul3A_31 : i32
      %get3A_82 = arith.index_cast %add3A_81 : i32 to index
      %get3A_83 = tpu.vector_load %arg8[%get3A_82] {strides = array<i32>} : memref<13312xf32, #tpu.memory_space<vmem>>, vector<16xf32>,
      %get3A_84 = vector.shape_cast %get3A_83 : vector<16xf32> to vector<16xf32>
      %add3A_85 = arith.addf %add3A_79, %get3A_84 : vector<16xf32>
      %add3A_86 = arith.constant 4608 : i32
      %add3A_87 = arith.addi %add3A_86, %mul3A_31 : i32
      %get3A_88 = arith.index_cast %add3A_87 : i32 to index
      %get3A_89 = tpu.vector_load %arg8[%get3A_88] {strides = array<i32>} : memref<13312xf32, #tpu.memory_space<vmem>>, vector<16xf32>,
      %get3A_90 = vector.shape_cast %get3A_89 : vector<16xf32> to vector<16xf32>
      %add3A_91 = arith.addf %add3A_85, %get3A_90 : vector<16xf32>
      %add3A_92 = arith.constant 5120 : i32
      %add3A_93 = arith.addi %add3A_92, %mul3A_31 : i32
      %get3A_94 = arith.index_cast %add3A_93 : i32 to index
      %get3A_95 = tpu.vector_load %arg8[%get3A_94] {strides = array<i32>} : memref<13312xf32, #tpu.memory_space<vmem>>, vector<16xf32>,
      %get3A_96 = vector.shape_cast %get3A_95 : vector<16xf32> to vector<16xf32>
      %add3A_97 = arith.addf %add3A_91, %get3A_96 : vector<16xf32>
      %add3A_98 = arith.constant 5632 : i32
      %add3A_99 = arith.addi %add3A_98, %mul3A_31 : i32
      %get3A_100 = arith.index_cast %add3A_99 : i32 to index
      %get3A_101 = tpu.vector_load %arg8[%get3A_100] {strides = array<i32>} : memref<13312xf32, #tpu.memory_space<vmem>>, vector<16xf32>,
      %get3A_102 = vector.shape_cast %get3A_101 : vector<16xf32> to vector<16xf32>
      %add3A_103 = arith.addf %add3A_97, %get3A_102 : vector<16xf32>
      %add3A_104 = arith.constant 6144 : i32
      %add3A_105 = arith.addi %add3A_104, %mul3A_31 : i32
      %get3A_106 = arith.index_cast %add3A_105 : i32 to index
      %get3A_107 = tpu.vector_load %arg8[%get3A_106] {strides = array<i32>} : memref<13312xf32, #tpu.memory_space<vmem>>, vector<16xf32>,
      %get3A_108 = vector.shape_cast %get3A_107 : vector<16xf32> to vector<16xf32>
      %add3A_109 = arith.addf %add3A_103, %get3A_108 : vector<16xf32>
      %add3A_110 = arith.constant 6656 : i32
      %add3A_111 = arith.addi %add3A_110, %mul3A_31 : i32
      %get3A_112 = arith.index_cast %add3A_111 : i32 to index
      %get3A_113 = tpu.vector_load %arg8[%get3A_112] {strides = array<i32>} : memref<13312xf32, #tpu.memory_space<vmem>>, vector<16xf32>,
      %get3A_114 = vector.shape_cast %get3A_113 : vector<16xf32> to vector<16xf32>
      %add3A_115 = arith.addf %add3A_109, %get3A_114 : vector<16xf32>
      %add3A_116 = arith.constant 7168 : i32
      %add3A_117 = arith.addi %add3A_116, %mul3A_31 : i32
      %get3A_118 = arith.index_cast %add3A_117 : i32 to index
      %get3A_119 = tpu.vector_load %arg8[%get3A_118] {strides = array<i32>} : memref<13312xf32, #tpu.memory_space<vmem>>, vector<16xf32>,
      %get3A_120 = vector.shape_cast %get3A_119 : vector<16xf32> to vector<16xf32>
      %add3A_121 = arith.addf %add3A_115, %get3A_120 : vector<16xf32>
      %add3A_122 = arith.constant 7680 : i32
      %add3A_123 = arith.addi %add3A_122, %mul3A_31 : i32
      %get3A_124 = arith.index_cast %add3A_123 : i32 to index
      %get3A_125 = tpu.vector_load %arg8[%get3A_124] {strides = array<i32>} : memref<13312xf32, #tpu.memory_space<vmem>>, vector<16xf32>,
      %get3A_126 = vector.shape_cast %get3A_125 : vector<16xf32> to vector<16xf32>
      %add3A_127 = arith.addf %add3A_121, %get3A_126 : vector<16xf32>
      %add3A_128 = arith.constant 8192 : i32
      %add3A_129 = arith.addi %add3A_128, %mul3A_31 : i32
      %get3A_130 = arith.index_cast %add3A_129 : i32 to index
      %get3A_131 = tpu.vector_load %arg8[%get3A_130] {strides = array<i32>} : memref<13312xf32, #tpu.memory_space<vmem>>, vector<16xf32>,
      %get3A_132 = vector.shape_cast %get3A_131 : vector<16xf32> to vector<16xf32>
      %add3A_133 = arith.addf %add3A_127, %get3A_132 : vector<16xf32>
      %add3A_134 = arith.constant 8704 : i32
      %add3A_135 = arith.addi %add3A_134, %mul3A_31 : i32
      %get3A_136 = arith.index_cast %add3A_135 : i32 to index
      %get3A_137 = tpu.vector_load %arg8[%get3A_136] {strides = array<i32>} : memref<13312xf32, #tpu.memory_space<vmem>>, vector<16xf32>,
      %get3A_138 = vector.shape_cast %get3A_137 : vector<16xf32> to vector<16xf32>
      %add3A_139 = arith.addf %add3A_133, %get3A_138 : vector<16xf32>
      %add3A_140 = arith.constant 9216 : i32
      %add3A_141 = arith.addi %add3A_140, %mul3A_31 : i32
      %get3A_142 = arith.index_cast %add3A_141 : i32 to index
      %get3A_143 = tpu.vector_load %arg8[%get3A_142] {strides = array<i32>} : memref<13312xf32, #tpu.memory_space<vmem>>, vector<16xf32>,
      %get3A_144 = vector.shape_cast %get3A_143 : vector<16xf32> to vector<16xf32>
      %add3A_145 = arith.addf %add3A_139, %get3A_144 : vector<16xf32>
      %add3A_146 = arith.constant 9728 : i32
      %add3A_147 = arith.addi %add3A_146, %mul3A_31 : i32
      %get3A_148 = arith.index_cast %add3A_147 : i32 to index
      %get3A_149 = tpu.vector_load %arg8[%get3A_148] {strides = array<i32>} : memref<13312xf32, #tpu.memory_space<vmem>>, vector<16xf32>,
      %get3A_150 = vector.shape_cast %get3A_149 : vector<16xf32> to vector<16xf32>
      %add3A_151 = arith.addf %add3A_145, %get3A_150 : vector<16xf32>
      %add3A_152 = arith.constant 10240 : i32
      %add3A_153 = arith.addi %add3A_152, %mul3A_31 : i32
      %get3A_154 = arith.index_cast %add3A_153 : i32 to index
      %get3A_155 = tpu.vector_load %arg8[%get3A_154] {strides = array<i32>} : memref<13312xf32, #tpu.memory_space<vmem>>, vector<16xf32>,
      %get3A_156 = vector.shape_cast %get3A_155 : vector<16xf32> to vector<16xf32>
      %add3A_157 = arith.addf %add3A_151, %get3A_156 : vector<16xf32>
      %add3A_158 = arith.constant 10752 : i32
      %add3A_159 = arith.addi %add3A_158, %mul3A_31 : i32
      %get3A_160 = arith.index_cast %add3A_159 : i32 to index
      %get3A_161 = tpu.vector_load %arg8[%get3A_160] {strides = array<i32>} : memref<13312xf32, #tpu.memory_space<vmem>>, vector<16xf32>,
      %get3A_162 = vector.shape_cast %get3A_161 : vector<16xf32> to vector<16xf32>
      %add3A_163 = arith.addf %add3A_157, %get3A_162 : vector<16xf32>
      %add3A_164 = arith.constant 11264 : i32
      %add3A_165 = arith.addi %add3A_164, %mul3A_31 : i32
      %get3A_166 = arith.index_cast %add3A_165 : i32 to index
      %get3A_167 = tpu.vector_load %arg8[%get3A_166] {strides = array<i32>} : memref<13312xf32, #tpu.memory_space<vmem>>, vector<16xf32>,
      %get3A_168 = vector.shape_cast %get3A_167 : vector<16xf32> to vector<16xf32>
      %add3A_169 = arith.addf %add3A_163, %get3A_168 : vector<16xf32>
      %add3A_170 = arith.constant 11776 : i32
      %add3A_171 = arith.addi %add3A_170, %mul3A_31 : i32
      %get3A_172 = arith.index_cast %add3A_171 : i32 to index
      %get3A_173 = tpu.vector_load %arg8[%get3A_172] {strides = array<i32>} : memref<13312xf32, #tpu.memory_space<vmem>>, vector<16xf32>,
      %get3A_174 = vector.shape_cast %get3A_173 : vector<16xf32> to vector<16xf32>
      %add3A_175 = arith.addf %add3A_169, %get3A_174 : vector<16xf32>
      %add3A_176 = arith.constant 12288 : i32
      %add3A_177 = arith.addi %add3A_176, %mul3A_31 : i32
      %get3A_178 = arith.index_cast %add3A_177 : i32 to index
      %get3A_179 = tpu.vector_load %arg8[%get3A_178] {strides = array<i32>} : memref<13312xf32, #tpu.memory_space<vmem>>, vector<16xf32>,
      %get3A_180 = vector.shape_cast %get3A_179 : vector<16xf32> to vector<16xf32>
      %add3A_181 = arith.addf %add3A_175, %get3A_180 : vector<16xf32>
      %add3A_182 = arith.constant 12800 : i32
      %add3A_183 = arith.addi %add3A_182, %mul3A_31 : i32
      %get3A_184 = arith.index_cast %add3A_183 : i32 to index
      %get3A_185 = tpu.vector_load %arg8[%get3A_184] {strides = array<i32>} : memref<13312xf32, #tpu.memory_space<vmem>>, vector<16xf32>,
      %get3A_186 = vector.shape_cast %get3A_185 : vector<16xf32> to vector<16xf32>
      %add3A_187 = arith.addf %add3A_181, %get3A_186 : vector<16xf32>
      %swap3A = arith.index_cast %mul3A_31 : i32 to index
      %swap3A_188 = tpu.vector_load %arg9[%swap3A] {strides = array<i32>} : memref<512xf32, #tpu.memory_space<vmem>>, vector<16xf32>,
      %swap3A_189 = vector.shape_cast %swap3A_188 : vector<16xf32> to vector<16xf32>
      %swap3A_190 = vector.shape_cast %add3A_187 : vector<16xf32> to vector<16xf32>
      tpu.vector_store %arg9[%swap3A], %swap3A_190 {strides = array<i32>} : memref<512xf32, #tpu.memory_space<vmem>>, vector<16xf32>,
      %scan3A_191 = arith.constant 0 : i32
      scf.yield %scan3A_191 : i32
    }
    %scan3A_27 = arith.constant 32 : i32
    "tpu.region"() ({
      %run_scoped3A = tpu.sem_alloc : memref<!tpu.dma_semaphore, #tpu.memory_space<semaphore_mem>>
      %dma_start3A = tpu.memref_slice %arg5[%mul3A_2] : memref<16384xf32, #tpu.memory_space<hbm>> -> memref<512xf32, #tpu.memory_space<hbm>>
      %dma_start3A_28 = tpu.memref_slice %arg5[%mul3A_2] : memref<16384xf32, #tpu.memory_space<hbm>> -> memref<512xf32, #tpu.memory_space<hbm>>
      tpu.enqueue_dma source(%arg9 : memref<512xf32, #tpu.memory_space<vmem>>) target(%dma_start3A_28 : memref<512xf32, #tpu.memory_space<hbm>>) target_semaphore(%run_scoped3A : memref<!tpu.dma_semaphore, #tpu.memory_space<semaphore_mem>>)
      %dma_wait3A_29 = tpu.memref_slice %arg5[%mul3A_2] : memref<16384xf32, #tpu.memory_space<hbm>> -> memref<512xf32, #tpu.memory_space<hbm>>
      %dma_wait3A_30 = tpu.memref_slice %arg5[%mul3A_2] : memref<16384xf32, #tpu.memory_space<hbm>> -> memref<512xf32, #tpu.memory_space<hbm>>
      tpu.wait_dma2 semaphore(%run_scoped3A : memref<!tpu.dma_semaphore, #tpu.memory_space<semaphore_mem>>) src(%arg9 : memref<512xf32, #tpu.memory_space<vmem>>) dst(%dma_wait3A_30 : memref<512xf32, #tpu.memory_space<hbm>>)
      tpu.yield
    }) : () -> ()
    return
  }
}

</mosaic_0001>

<sc_bundles>
// kernel: kernel.3.cloned.1.call-start
scs
__scs_entry_jumppad:
0x0: {  	(pc) =	sbr.rel $0x88, $3  }
0x1: {  	(tag) =	ssettag $0x0;
	lr =	simm.s32 $0x1  }
0x2: {  	[smem:$0x3F9E] =	sst lr;
	_ =	strace $0xD0000000  }
0x3: {  	_ = 	snop  }
0x4: {  	_ = 	snop  }
0x5: {  	_ = 	snop  }
0x6: {  	_ = 	snop  }
0x7: {  	_ = 	snop  }
__scs_overlays_trampoline_lowered:
0x8: {  	[smem:$0x3FAD] =	sst s0  }
0x9: {  	[smem:$0x3FAE] =	sst s1  }
0xa: {  	[smem:$0x3FAF] =	sst s2  }
0xb: {  	[smem:$0x3FB0] =	sst s3  }
0xc: {  	[smem:$0x3FB1] =	sst s4  }
0xd: {  	[smem:$0x3FB2] =	sst s5  }
0xe: {  	[smem:$0x3FB3] =	sst s6  }
0xf: {  	[smem:$0x3FB4] =	sst s7  }
0x10: {  	[smem:$0x3FB5] =	sst s8  }
0x11: {  	[smem:$0x3FB6] =	sst s9;
	s0 =	simm.s32 @!p0 $0x0  }
0x12: {  	s1 =	sld [smem:$0x3F9C];
	s0 =	simm.s32 @p0 $0x1  }
0x13: {  	[smem:$0x3FB7] =	sst s0;
	s0 =	simm.s32 @!p1 $0x0  }
0x14: {  	s2 =	sld [smem:$0x3F9B];
	s0 =	simm.s32 @p1 $0x1  }
0x15: {  	[smem:$0x3FB8] =	sst s0;
	s0 =	simm.s32 @!p2 $0x0  }
0x16: {  	s3 =	sld [smem:$0x3FDB];
	s0 =	simm.s32 @p2 $0x1  }
0x17: {  	s4 =	simm.s32 $0x1BF5;
	[smem:$0x3FBA] =	sst s0  }
0x18: {  	s0 =	sld [smem:$0x3F9D];
	_ =	swait.ge [sflag:s4], $0x0  }
0x19: {  	s7 =	sld [smem:$0x3F9E]  }
0x1a: {  	s8 =	sadd.s32 $0xFFFFE003, lr  }
0x1b: {  	s9 =	sadd.s32 $0xFFFFFEF7, lr;
	s5 =	simm.s32 $0xFFFFFFFF;
	p2 =	slt.u32 s8, $0xFFFFF086  }
0x1c: {  	p1 =	slt.u32 s9, $0xF7A;
	s5 =	simm.s32 @!p2 $0x0  }
0x1d: {  	s5 =	simm.s32 @p1 $0x1;
	p0 =	seq.s32 s7, s2  }
0x1e: {  	s7 =	smul.u32 @!p0 $0xF7A, s2;
	p2 =	seq.s32 @!p0 s5, $0x0  }
0x1f: {  	s9 =	smul.u32 $0xF7A, s1;
	s8 =	simm.s32 @!p0 $0x1BF5;
	p2 =	por !p2, p0  }
0x20: {  	[sflag:s8] =	ssyncset.s32 @!p0 $0xFFFFF086;
	s6 =	sadd.s32 @!p0 s3, s7;
	s7 =	simm.s32 @!p0 $0x108  }
0x21: {  	s3 =	sadd.s32 s3, s9;
	s6 =	sadd.s32 @!p0 $0x88, s6;
	s7 =	simm.s32 @p2 $0x1082  }
0x22: {  	[simem:s7], [sflag:s8] =	dma.local @!p0 [hbm:s6], $0xF7A  }
0x23: {  	s9 =	sor.u32 $0xD0000000, s2;
	s6 =	simm.s32 $0x108;
	_ =	swait.ge @!p0 [sflag:s8], $0x0  }
0x24: {  	s3 =	sadd.s32 $0x88, s3;
	s6 =	simm.s32 @!p1 $0x1082;
	[sflag:s4] =	ssyncset.s32 $0xFFFFF086  }
0x25: {  	[simem:s6], [sflag:s4] =	dma.local [hbm:s3], $0xF7A  }
0x26: {  	[smem:$0x3F9E] =	sst s1;
	(tag) =	ssettag s2;
	_ =	strace s9  }
0x27: {  	s1 =	sld [smem:$0x3FAE]  }
0x28: {  	s2 =	sld [smem:$0x3FAF]  }
0x29: {  	s4 =	sld [smem:$0x3FB1]  }
0x2a: {  	p0 =	seq.s32 s5, $0x0;
	s5 =	sld [smem:$0x3FB2]  }
0x2b: {  	s6 =	sld [smem:$0x3FB3]  }
0x2c: {  	s7 =	sld [smem:$0x3FB4]  }
0x2d: {  	s3 =	simm.s32 $0x108;
	s8 =	sld [smem:$0x3FB5]  }
0x2e: {  	s3 =	simm.s32 @!p0 $0x1082;
	s9 =	sld [smem:$0x3FB6]  }
0x2f: {  	lr =	sadd.s32 s0, s3;
	s0 =	sld [smem:$0x3FAD]  }
0x30: {  	s3 =	sld [smem:$0x3FB0]  }
0x31: {  	[smem:$0x3FB9] =	sst s10  }
0x32: {  	s10 =	sld [smem:$0x3FB7];
	_ =	sdelay $0x3  }
0x33: {  	p0 =	seq.s32 s10, $0x1;
	s10 =	sld [smem:$0x3FB9];
	_ =	sdelay $0x3  }
0x34: {  	[smem:$0x3FB9] =	sst s10  }
0x35: {  	s10 =	sld [smem:$0x3FB8];
	_ =	sdelay $0x3  }
0x36: {  	p1 =	seq.s32 s10, $0x1;
	s10 =	sld [smem:$0x3FB9];
	_ =	sdelay $0x3  }
0x37: {  	[smem:$0x3FB9] =	sst s10  }
0x38: {  	s10 =	sld [smem:$0x3FBA]  }
0x39: {  	_ = 	snop;
	(pc) =	sbr.ind lr, $3  }
0x3a: {  	_ = 	snop  }
0x3b: {  	_ = 	snop  }
0x3c: {  	p2 =	seq.s32 s10, $0x1;
	s10 =	sld [smem:$0x3FB9]  }
0x3d: {  	_ =	shalt  }
0x3e: {  	_ =	shalt  }
0x3f: {  	_ =	shalt  }
0x40: {  	_ =	shalt  }
0x41: {  	_ =	shalt  }
0x42: {  	_ =	shalt  }
0x43: {  	_ =	shalt  }
0x44: {  	_ =	shalt  }
0x45: {  	_ =	shalt  }
0x46: {  	_ =	shalt  }
0x47: {  	_ =	shalt  }
0x48: {  	_ =	shalt  }
0x49: {  	_ =	shalt  }
0x4a: {  	_ =	shalt  }
0x4b: {  	_ =	shalt  }
0x4c: {  	_ =	shalt  }
0x4d: {  	_ =	shalt  }
0x4e: {  	_ =	shalt  }
0x4f: {  	_ =	shalt  }
0x50: {  	_ =	shalt  }
0x51: {  	_ =	shalt  }
0x52: {  	_ =	shalt  }
0x53: {  	_ =	shalt  }
0x54: {  	_ =	shalt  }
0x55: {  	_ =	shalt  }
0x56: {  	_ =	shalt  }
0x57: {  	_ =	shalt  }
0x58: {  	_ =	shalt  }
0x59: {  	_ =	shalt  }
0x5a: {  	_ =	shalt  }
0x5b: {  	_ =	shalt  }
0x5c: {  	_ =	shalt  }
0x5d: {  	_ =	shalt  }
0x5e: {  	_ =	shalt  }
0x5f: {  	_ =	shalt  }
0x60: {  	_ =	shalt  }
0x61: {  	_ =	shalt  }
0x62: {  	_ =	shalt  }
0x63: {  	_ =	shalt  }
0x64: {  	_ =	shalt  }
0x65: {  	_ =	shalt  }
0x66: {  	_ =	shalt  }
0x67: {  	_ =	shalt  }
0x68: {  	_ =	shalt  }
0x69: {  	_ =	shalt  }
0x6a: {  	_ =	shalt  }
0x6b: {  	_ =	shalt  }
0x6c: {  	_ =	shalt  }
0x6d: {  	_ =	shalt  }
0x6e: {  	_ =	shalt  }
0x6f: {  	_ =	shalt  }
0x70: {  	_ =	shalt  }
0x71: {  	_ =	shalt  }
0x72: {  	_ =	shalt  }
0x73: {  	_ =	shalt  }
0x74: {  	_ =	shalt  }
0x75: {  	_ =	shalt  }
0x76: {  	_ =	shalt  }
0x77: {  	_ =	shalt  }
0x78: {  	_ =	shalt  }
0x79: {  	_ =	shalt  }
0x7a: {  	_ =	shalt  }
0x7b: {  	_ =	shalt  }
0x7c: {  	_ =	shalt  }
0x7d: {  	_ =	shalt  }
0x7e: {  	_ =	shalt  }
0x7f: {  	_ =	shalt  }
0x80: {  	_ =	shalt  }
0x81: {  	_ =	shalt  }
0x82: {  	_ =	shalt  }
0x83: {  	_ =	shalt  }
0x84: {  	_ =	shalt  }
0x85: {  	_ =	shalt  }
0x86: {  	_ =	shalt  }
0x87: {  	_ =	shalt  }
.Lfunc_end0:
.L_simem_size_0:
called_computation_lowered:
.L_overlay_start_0:
0x88: {  	s2 =	sld [smem:$0x3FD9]  }
0x89: {  	s3 =	sld [smem:$0x3FFE];
	_ =	sdelay $0x1  }
0x8a: {  	s1 =	srdreg.scid  }
0x8b: {  	s0 =	sand.u32 $0x1, s1  }
0x8c: {  	s17 =	sshll.u32 s0, $0xA;
	s2 =	sadd.s32 s3, s2  }
0x8d: {  	s2 =	sadd.s32 s2, s17  }
0x8e: {  	[smem:$0x3FC5] =	sst s2  }
0x8f: {  	_ = 	snop  }
0x90: {  	s2 =	sld [smem:$0x3FC9]  }
0x91: {  	s18 =	sld [smem:$0x3FC8]  }
0x92: {  	s4 =	sld [smem:$0x3FD0];
	(tm) =	ssettm $0x1  }
0x93: {  	s5 =	sld [smem:$0x3FFB];
	_ =	sdelay $0x3  }
0x94: {  	_ =	strace s5  }
0x95: {  	s5 =	sld [smem:$0x3FFC];
	_ =	sdelay $0x3  }
0x96: {  	_ =	strace s5  }
0x97: {  	s5 =	sld [smem:$0x3FFD];
	_ =	sdelay $0x3  }
0x98: {  	_ =	strace s5  }
0x99: {  	_ =	strace $0x8FFFFFFF  }
0x9a: {  	s19 =	sld [smem:$0x3FDB];
	_ =	sdelay $0x1  }
0x9b: {  	s6 =	simm.s32 $_scs_section_size  }
0x9c: {  	s7 =	simm.s32 $_size__tile_overlayer_lowered;
	s8 =	simm.s32 $_tile_overlayer_lowered  }
0x9d: {  	s22 =	simm.s32 $0x1BFF;
	s21 =	sshll.u32 s8, $0x1;
	s5 =	sadd.s32 s6, s19  }
0x9e: {  	s9 =	simm.s32 $0x0;
	s20 =	sshll.u32 s7, $0x1;
	s7 =	sadd.s32 s21, s5  }
0x9f: {  	[timem:s9], [sflag:s22] =	dma.local [hbm:s7], s20  }
0xa0: {  	_ =	swait.ge [sflag:s22], s20  }
0xa1: {  	s6 =	ssub.s32 $0x0, s20;
	[sflag:s22] =	ssyncset.done $0x0  }
0xa2: {  	[sflag:s22] =	ssyncadd.s32 s6;
	_ =	sdelay $0x1  }
0xa3: {  	s23 =	simm.s32 $0x1B8B  }
0xa4: {  	_ =	swait.ge [sflag:s23], $0x1  }
0xa5: {  	[sflag:s23] =	ssyncset.done $0x0  }
0xa6: {  	s25 =	simm.s32 $0x1B8E;
	s24 =	sld [smem:$0x3FFE];
	[sflag:s23] =	ssyncadd.s32 $0xFFFFFFFF  }
0xa7: {  	s26 =	simm.s32 $execute0_lowered;
	[smem:$0x3FD2] =	sst s25  }
0xa8: {  	s7 =	sshll.u32 s26, $0x1;
	_ =	strace $0x80000046;
	[dreg:$0x1] =	wrdreg $0xFFFFFFFF  }
0xa9: {  	s28 =	simm.s32 $_size_execute0_lowered;
	s5 =	sadd.s32 s5, s7;
	[dreg:$0x0] =	wrdreg $0x0  }
0xaa: {  	s7 =	sshll.u32 s28, $0x1;
	[dreg:$0x2] =	wrdreg s5  }
0xab: {  	[dreg:$0x3] =	wrdreg s7  }
0xac: {  	[dreg:$0x4] =	wrdreg $0xC0  }
0xad: {  	_ =	task [dreg:s9], $0x5FFFF  }
0xae: {  	[dreg:$0x1] =	wrdreg $0xFFFFFFFF  }
0xaf: {  	[dreg:$0x0] =	wrdreg $0x60  }
0xb0: {  	[dreg:$0x2] =	wrdreg s2  }
0xb1: {  	[dreg:$0x3] =	wrdreg s18  }
0xb2: {  	[dreg:$0x4] =	wrdreg s24  }
0xb3: {  	[dreg:$0x5] =	wrdreg s4  }
0xb4: {  	[dreg:$0x6] =	wrdreg $0x9  }
0xb5: {  	_ =	task.clear_ibuf [dreg:s9], $0x7FFFF;
	_ =	strace $0x90000046  }
0xb6: {  	s29 =	simm.s32 $0x9;
	_ =	strace $0x80000048  }
0xb7: {  	_ =	swait.ge [sflag:s29], $0x1  }
0xb8: {  	[sflag:s29] =	ssyncadd.s32 $0xFFFFFFFF  }
0xb9: {  	_ =	strace $0x90000048  }
0xba: {  	_ =	sfence  }
0xbb: {  	s30 =	sld [smem:$0x0];
	_ =	sdelay $0x2  }
0xbc: {  	s31 =	sshll.u32 s1, $0xD;
	s1 =	sshrl.u32 s1, $0x2  }
0xbd: {  	s3 =	sand.u32 $0x4000, s31;
	s1 =	sadd.s32 s1, s30  }
0xbe: {  	s0 =	sor.u32 s3, s0;
	s1 =	sshll.u32 s1, $0x11  }
0xbf: {  	s0 =	sor.u32 s1, s0  }
0xc0: {  	s0 =	sadd.s32 $0x8F2B, s0  }
0xc1: {  	[sflag:s0] =	ssyncadd.remote.s32 $0x1  }
0xc2: {  	_ =	sfence.sel $0xFFFF  }
0xc3: {  	[dreg:$0x0] =	wrdreg $0xFFFFFFFF;
	(pc) =	sbr.abs _section_cstart, $3  }
0xc4: {  	[dreg:$0x1] =	wrdreg $0xFFFFFFFF  }
0xc5: {  	_ =	task.clear_ibuf [dreg:s9], $0x2FFFF;
	_ =	strace $0x9FFFFFFF  }
0xc6: {  	(tm) =	ssettm $0x7FFFFFFF  }
0xc7: {  	_ =	shalt  }
tec
execute0_lowered:
.L_overlay_start_1:
0x0: {  	(tag) =	ssettag $0x1  }
0x1: {  	s5 =	rddreg [dreg:$0x0]  }
0x2: {  	s1 =	rddreg [dreg:$0x1]  }
0x3: {  	s4 =	rddreg [dreg:$0x2]  }
0x4: {  	s6 =	rddreg [dreg:$0x3]  }
0x5: {  	s0 =	rddreg [dreg:$0x4];
	s7 =	srdreg.scid  }
0x6: {  	s3 =	simm.s32 $0x0;
	s2 =	stileid.u32;
	s11 =	simm.s32 $0xAA00  }
0x7: {  	s12 =	simm.s32 $0x200;
	s13 =	simm.s32 $0x1;
	s14 =	simm.s32 $0xA800  }
0x8: {  	s15 =	simm.s32 $0x0;
	s7 =	sand.u32 $0x1, s7;
	[smem:$0x7FF] =	sst s3  }
0x9: {  	s8 =	sshll.u32 s2, $0xA;
	s4 =	sadd.s32 $0x400, s4;
	s9 =	sshll.u32 s7, $0x9  }
0xa: {  	_ =	strace $0x80000047;
	s7 =	ssub.s32 $0x2, s7;
	s8 =	sor.u32 s9, s8  }
0xb: {  	s31 =	sshrl.u32 s7, $0x1;
	s9 =	simm.s32 $0x20000;
	s10 =	sshrl.u32 s8, $0x3  }
0xc: {  	s7 =	ssub.s32 s7, s31;
	s5 =	sadd.s32 s5, s8;
	s8 =	simm.s32 $0x1000  }
0xd: {  	s6 =	sadd.s32 s6, s10;
	s7 =	smax.u32 s7, $0x1;
	s10 =	simm.s32 $0x2  }
.LBB2_1:
0xe: {  	[tilespmem:s3], [sflag:$0x2] =	stream.strided.gather [hbm4b:s5+s8], $0x4000, s9, s8, $0x38;
	[tilespmem:$0xAA80] =	vst v63  }
0xf: {  	_ =	swait.ge [sflag:s10], $0x4000  }
0x10: {  	[sflag:s10] =	ssyncset.done $0x0  }
0x11: {  	[sflag:s10] =	ssyncadd.s32 $0xFFFFC000  }
0x12: {  	[tilespmem:s11], [sflag:$0x2] =	stream.linear.gather [hbm4b:s4+s3], $0x80, $0x38;
	[tilespmem:$0xAA80] =	vst v63  }
0x13: {  	_ =	swait.ge [sflag:s10], $0x80  }
0x14: {  	s16 =	sand.u32 $0x3000, s3;
	s17 =	sand.u32 $0x380, s3;
	[sflag:s10] =	ssyncset.done $0x0  }
0x15: {  	s16 =	sor.u32 s17, s16;
	[sflag:s10] =	ssyncadd.s32 $0xFFFFFF80  }
0x16: {  	v0 =	vld [tilespmem:s16+$0x0];
	_ =	sdelay $0x4  }
0x17: {  	s18 =	simm.s32 $0x4000;
	v0 =	vadd.s32 s3, v0  }
0x18: {  	[tilespmem:s18+$0x0] =	vst v0  }
0x19: {  	v0 =	vld [tilespmem:s16+$0x10];
	_ =	sdelay $0x4  }
0x1a: {  	v0 =	vadd.s32 s3, v0  }
0x1b: {  	[tilespmem:s18+$0x10] =	vst v0  }
0x1c: {  	v0 =	vld [tilespmem:s16+$0x20];
	_ =	sdelay $0x4  }
0x1d: {  	v0 =	vadd.s32 s3, v0  }
0x1e: {  	[tilespmem:s18+$0x20] =	vst v0  }
0x1f: {  	v0 =	vld [tilespmem:s16+$0x30];
	_ =	sdelay $0x4  }
0x20: {  	v0 =	vadd.s32 s3, v0  }
0x21: {  	[tilespmem:s18+$0x30] =	vst v0  }
0x22: {  	v0 =	vld [tilespmem:s16+$0x40];
	_ =	sdelay $0x4  }
0x23: {  	v0 =	vadd.s32 s3, v0  }
0x24: {  	[tilespmem:s18+$0x40] =	vst v0  }
0x25: {  	v0 =	vld [tilespmem:s16+$0x50];
	_ =	sdelay $0x4  }
0x26: {  	v0 =	vadd.s32 s3, v0  }
0x27: {  	[tilespmem:s18+$0x50] =	vst v0  }
0x28: {  	v0 =	vld [tilespmem:s16+$0x60];
	_ =	sdelay $0x4  }
0x29: {  	v0 =	vadd.s32 s3, v0  }
0x2a: {  	[tilespmem:s18+$0x60] =	vst v0  }
0x2b: {  	v0 =	vld [tilespmem:s16+$0x70];
	_ =	sdelay $0x4  }
0x2c: {  	v0 =	vadd.s32 s3, v0  }
0x2d: {  	[tilespmem:s18+$0x70] =	vst v0  }
0x2e: {  	v0 =	vld [tilespmem:s16+$0x400];
	_ =	sdelay $0x4  }
0x2f: {  	v0 =	vadd.s32 s3, v0  }
0x30: {  	[tilespmem:s18+$0x80] =	vst v0  }
0x31: {  	v0 =	vld [tilespmem:s16+$0x410];
	_ =	sdelay $0x4  }
0x32: {  	v0 =	vadd.s32 s3, v0  }
0x33: {  	[tilespmem:s18+$0x90] =	vst v0  }
0x34: {  	v0 =	vld [tilespmem:s16+$0x420];
	_ =	sdelay $0x4  }
0x35: {  	v0 =	vadd.s32 s3, v0  }
0x36: {  	[tilespmem:s18+$0xA0] =	vst v0  }
0x37: {  	v0 =	vld [tilespmem:s16+$0x430];
	_ =	sdelay $0x4  }
0x38: {  	v0 =	vadd.s32 s3, v0  }
0x39: {  	[tilespmem:s18+$0xB0] =	vst v0  }
0x3a: {  	v0 =	vld [tilespmem:s16+$0x440];
	_ =	sdelay $0x4  }
0x3b: {  	v0 =	vadd.s32 s3, v0  }
0x3c: {  	[tilespmem:s18+$0xC0] =	vst v0  }
0x3d: {  	v0 =	vld [tilespmem:s16+$0x450];
	_ =	sdelay $0x4  }
0x3e: {  	v0 =	vadd.s32 s3, v0  }
0x3f: {  	[tilespmem:s18+$0xD0] =	vst v0  }
0x40: {  	v0 =	vld [tilespmem:s16+$0x460];
	_ =	sdelay $0x4  }
0x41: {  	v0 =	vadd.s32 s3, v0  }
0x42: {  	[tilespmem:s18+$0xE0] =	vst v0  }
0x43: {  	v0 =	vld [tilespmem:s16+$0x470];
	_ =	sdelay $0x4  }
0x44: {  	v0 =	vadd.s32 s3, v0  }
0x45: {  	[tilespmem:s18+$0xF0] =	vst v0  }
0x46: {  	v0 =	vld [tilespmem:s16+$0x800];
	_ =	sdelay $0x4  }
0x47: {  	v0 =	vadd.s32 s3, v0  }
0x48: {  	[tilespmem:s18+$0x100] =	vst v0  }
0x49: {  	v0 =	vld [tilespmem:s16+$0x810];
	_ =	sdelay $0x4  }
0x4a: {  	v0 =	vadd.s32 s3, v0  }
0x4b: {  	[tilespmem:s18+$0x110] =	vst v0  }
0x4c: {  	v0 =	vld [tilespmem:s16+$0x820];
	_ =	sdelay $0x4  }
0x4d: {  	v0 =	vadd.s32 s3, v0  }
0x4e: {  	[tilespmem:s18+$0x120] =	vst v0  }
0x4f: {  	v0 =	vld [tilespmem:s16+$0x830];
	_ =	sdelay $0x4  }
0x50: {  	v0 =	vadd.s32 s3, v0  }
0x51: {  	[tilespmem:s18+$0x130] =	vst v0  }
0x52: {  	v0 =	vld [tilespmem:s16+$0x840];
	_ =	sdelay $0x4  }
0x53: {  	v0 =	vadd.s32 s3, v0  }
0x54: {  	[tilespmem:s18+$0x140] =	vst v0  }
0x55: {  	v0 =	vld [tilespmem:s16+$0x850];
	_ =	sdelay $0x4  }
0x56: {  	v0 =	vadd.s32 s3, v0  }
0x57: {  	[tilespmem:s18+$0x150] =	vst v0  }
0x58: {  	v0 =	vld [tilespmem:s16+$0x860];
	_ =	sdelay $0x4  }
0x59: {  	v0 =	vadd.s32 s3, v0  }
0x5a: {  	[tilespmem:s18+$0x160] =	vst v0  }
0x5b: {  	v0 =	vld [tilespmem:s16+$0x870];
	_ =	sdelay $0x4  }
0x5c: {  	v0 =	vadd.s32 s3, v0  }
0x5d: {  	[tilespmem:s18+$0x170] =	vst v0  }
0x5e: {  	v0 =	vld [tilespmem:s16+$0xC00];
	_ =	sdelay $0x4  }
0x5f: {  	v0 =	vadd.s32 s3, v0  }
0x60: {  	[tilespmem:s18+$0x180] =	vst v0  }
0x61: {  	v0 =	vld [tilespmem:s16+$0xC10];
	_ =	sdelay $0x4  }
0x62: {  	v0 =	vadd.s32 s3, v0  }
0x63: {  	[tilespmem:s18+$0x190] =	vst v0  }
0x64: {  	v0 =	vld [tilespmem:s16+$0xC20];
	_ =	sdelay $0x4  }
0x65: {  	v0 =	vadd.s32 s3, v0  }
0x66: {  	[tilespmem:s18+$0x1A0] =	vst v0  }
0x67: {  	v0 =	vld [tilespmem:s16+$0xC30];
	_ =	sdelay $0x4  }
0x68: {  	v0 =	vadd.s32 s3, v0  }
0x69: {  	[tilespmem:s18+$0x1B0] =	vst v0  }
0x6a: {  	v0 =	vld [tilespmem:s16+$0xC40];
	_ =	sdelay $0x4  }
0x6b: {  	v0 =	vadd.s32 s3, v0  }
0x6c: {  	[tilespmem:s18+$0x1C0] =	vst v0  }
0x6d: {  	v0 =	vld [tilespmem:s16+$0xC50];
	_ =	sdelay $0x4  }
0x6e: {  	v0 =	vadd.s32 s3, v0  }
0x6f: {  	[tilespmem:s18+$0x1D0] =	vst v0  }
0x70: {  	v0 =	vld [tilespmem:s16+$0xC60];
	_ =	sdelay $0x4  }
0x71: {  	v0 =	vadd.s32 s3, v0  }
0x72: {  	[tilespmem:s18+$0x1E0] =	vst v0  }
0x73: {  	v0 =	vld [tilespmem:s16+$0xC70];
	_ =	sdelay $0x2  }
0x74: {  	s19 =	simm.s32 $0x200;
	s21 =	simm.s32 $0x13880;
	s22 =	simm.s32 $0x80  }
0x75: {  	s20 =	simm.s32 $0x4000;
	s23 =	simm.s32 $0x7400;
	s17 =	simm.s32 $0x9C40  }
0x76: {  	s25 =	sand.u32 $0x3000, s19;
	s26 =	sand.u32 $0x380, s22;
	s16 =	simm.s32 $0x7400;
	v0 =	vadd.s32 s3, v0  }
.LBB2_2:
0x77: {  	s25 =	sor.u32 s26, s25  }
0x78: {  	[tilespmem:s18+$0x1F0] =	vst v0;
	s16 =	sadd.s32 $0x200, s16;
	s20 =	sadd.s32 $0x200, s20;
	s24 =	smov.u32 s21  }
0x79: {  	[tilespmem:s23], [sflag:$0x1] =	stream.indirect.gather [hbm4b:s1+s12], $0x1, s18, s12, $0xb8;
	[tilespmem:$0xAA80] =	vst v63  }
0x7a: {  	p0 =	sne.s32 s21, $0xF4240;
	s21 =	sadd.s32 $0x9C40, s21;
	s23 =	smov.u32 s16;
	v0 =	vld [tilespmem:s25+$0x0]  }
0x7b: {  	s18 =	smov.u32 s20;
	_ =	sdelay $0x3  }
0x7c: {  	v0 =	vadd.s32 s17, v0  }
0x7d: {  	[tilespmem:s20+$0x0] =	vst v0  }
0x7e: {  	v0 =	vld [tilespmem:s25+$0x10];
	_ =	sdelay $0x4  }
0x7f: {  	v0 =	vadd.s32 s17, v0  }
0x80: {  	[tilespmem:s20+$0x10] =	vst v0  }
0x81: {  	v0 =	vld [tilespmem:s25+$0x20];
	_ =	sdelay $0x4  }
0x82: {  	v0 =	vadd.s32 s17, v0  }
0x83: {  	[tilespmem:s20+$0x20] =	vst v0  }
0x84: {  	v0 =	vld [tilespmem:s25+$0x30];
	_ =	sdelay $0x4  }
0x85: {  	v0 =	vadd.s32 s17, v0  }
0x86: {  	[tilespmem:s20+$0x30] =	vst v0  }
0x87: {  	v0 =	vld [tilespmem:s25+$0x40];
	_ =	sdelay $0x4  }
0x88: {  	v0 =	vadd.s32 s17, v0  }
0x89: {  	[tilespmem:s20+$0x40] =	vst v0  }
0x8a: {  	v0 =	vld [tilespmem:s25+$0x50];
	_ =	sdelay $0x4  }
0x8b: {  	v0 =	vadd.s32 s17, v0  }
0x8c: {  	[tilespmem:s20+$0x50] =	vst v0  }
0x8d: {  	v0 =	vld [tilespmem:s25+$0x60];
	_ =	sdelay $0x4  }
0x8e: {  	v0 =	vadd.s32 s17, v0  }
0x8f: {  	[tilespmem:s20+$0x60] =	vst v0  }
0x90: {  	v0 =	vld [tilespmem:s25+$0x70];
	_ =	sdelay $0x4  }
0x91: {  	v0 =	vadd.s32 s17, v0  }
0x92: {  	[tilespmem:s20+$0x70] =	vst v0  }
0x93: {  	v0 =	vld [tilespmem:s25+$0x400];
	_ =	sdelay $0x4  }
0x94: {  	v0 =	vadd.s32 s17, v0  }
0x95: {  	[tilespmem:s20+$0x80] =	vst v0  }
0x96: {  	v0 =	vld [tilespmem:s25+$0x410];
	_ =	sdelay $0x4  }
0x97: {  	v0 =	vadd.s32 s17, v0  }
0x98: {  	[tilespmem:s20+$0x90] =	vst v0  }
0x99: {  	v0 =	vld [tilespmem:s25+$0x420];
	_ =	sdelay $0x4  }
0x9a: {  	v0 =	vadd.s32 s17, v0  }
0x9b: {  	[tilespmem:s20+$0xA0] =	vst v0  }
0x9c: {  	v0 =	vld [tilespmem:s25+$0x430];
	_ =	sdelay $0x4  }
0x9d: {  	v0 =	vadd.s32 s17, v0  }
0x9e: {  	[tilespmem:s20+$0xB0] =	vst v0  }
0x9f: {  	v0 =	vld [tilespmem:s25+$0x440];
	_ =	sdelay $0x4  }
0xa0: {  	v0 =	vadd.s32 s17, v0  }
0xa1: {  	[tilespmem:s20+$0xC0] =	vst v0  }
0xa2: {  	v0 =	vld [tilespmem:s25+$0x450];
	_ =	sdelay $0x4  }
0xa3: {  	v0 =	vadd.s32 s17, v0  }
0xa4: {  	[tilespmem:s20+$0xD0] =	vst v0  }
0xa5: {  	v0 =	vld [tilespmem:s25+$0x460];
	_ =	sdelay $0x4  }
0xa6: {  	v0 =	vadd.s32 s17, v0  }
0xa7: {  	[tilespmem:s20+$0xE0] =	vst v0  }
0xa8: {  	v0 =	vld [tilespmem:s25+$0x470];
	_ =	sdelay $0x4  }
0xa9: {  	v0 =	vadd.s32 s17, v0  }
0xaa: {  	[tilespmem:s20+$0xF0] =	vst v0  }
0xab: {  	v0 =	vld [tilespmem:s25+$0x800];
	_ =	sdelay $0x4  }
0xac: {  	v0 =	vadd.s32 s17, v0  }
0xad: {  	[tilespmem:s20+$0x100] =	vst v0  }
0xae: {  	v0 =	vld [tilespmem:s25+$0x810];
	_ =	sdelay $0x4  }
0xaf: {  	v0 =	vadd.s32 s17, v0  }
0xb0: {  	[tilespmem:s20+$0x110] =	vst v0  }
0xb1: {  	v0 =	vld [tilespmem:s25+$0x820];
	_ =	sdelay $0x4  }
0xb2: {  	v0 =	vadd.s32 s17, v0  }
0xb3: {  	[tilespmem:s20+$0x120] =	vst v0  }
0xb4: {  	v0 =	vld [tilespmem:s25+$0x830];
	_ =	sdelay $0x4  }
0xb5: {  	v0 =	vadd.s32 s17, v0  }
0xb6: {  	[tilespmem:s20+$0x130] =	vst v0  }
0xb7: {  	v0 =	vld [tilespmem:s25+$0x840];
	_ =	sdelay $0x4  }
0xb8: {  	v0 =	vadd.s32 s17, v0  }
0xb9: {  	[tilespmem:s20+$0x140] =	vst v0  }
0xba: {  	v0 =	vld [tilespmem:s25+$0x850];
	_ =	sdelay $0x4  }
0xbb: {  	v0 =	vadd.s32 s17, v0  }
0xbc: {  	[tilespmem:s20+$0x150] =	vst v0  }
0xbd: {  	v0 =	vld [tilespmem:s25+$0x860];
	_ =	sdelay $0x4  }
0xbe: {  	v0 =	vadd.s32 s17, v0  }
0xbf: {  	[tilespmem:s20+$0x160] =	vst v0  }
0xc0: {  	v0 =	vld [tilespmem:s25+$0x870];
	_ =	sdelay $0x4  }
0xc1: {  	v0 =	vadd.s32 s17, v0  }
0xc2: {  	[tilespmem:s20+$0x170] =	vst v0  }
0xc3: {  	v0 =	vld [tilespmem:s25+$0xC00];
	_ =	sdelay $0x4  }
0xc4: {  	v0 =	vadd.s32 s17, v0  }
0xc5: {  	[tilespmem:s20+$0x180] =	vst v0  }
0xc6: {  	v0 =	vld [tilespmem:s25+$0xC10];
	_ =	sdelay $0x4  }
0xc7: {  	v0 =	vadd.s32 s17, v0  }
0xc8: {  	[tilespmem:s20+$0x190] =	vst v0  }
0xc9: {  	v0 =	vld [tilespmem:s25+$0xC20];
	_ =	sdelay $0x4  }
0xca: {  	v0 =	vadd.s32 s17, v0  }
0xcb: {  	[tilespmem:s20+$0x1A0] =	vst v0  }
0xcc: {  	v0 =	vld [tilespmem:s25+$0xC30];
	_ =	sdelay $0x4  }
0xcd: {  	v0 =	vadd.s32 s17, v0  }
0xce: {  	[tilespmem:s20+$0x1B0] =	vst v0  }
0xcf: {  	v0 =	vld [tilespmem:s25+$0xC40];
	_ =	sdelay $0x4  }
0xd0: {  	v0 =	vadd.s32 s17, v0  }
0xd1: {  	[tilespmem:s20+$0x1C0] =	vst v0  }
0xd2: {  	v0 =	vld [tilespmem:s25+$0xC50];
	_ =	sdelay $0x4  }
0xd3: {  	v0 =	vadd.s32 s17, v0  }
0xd4: {  	[tilespmem:s20+$0x1D0] =	vst v0  }
0xd5: {  	v0 =	vld [tilespmem:s25+$0xC60];
	_ =	sdelay $0x4  }
0xd6: {  	v0 =	vadd.s32 s17, v0  }
0xd7: {  	[tilespmem:s20+$0x1E0] =	vst v0  }
0xd8: {  	v0 =	vld [tilespmem:s25+$0xC70]  }
.Ltmp0:
0xd9: {  	(pc) =	sbr.rel @p0 .LBB2_2-.Ltmp0, $3  }
0xda: {  	_ =	sdelay $0x1  }
0xdb: {  	s22 =	sadd.s32 $0x80, s22;
	s19 =	sadd.s32 $0x200, s19  }
0xdc: {  	s26 =	sand.u32 $0x380, s22;
	s25 =	sand.u32 $0x3000, s19;
	v0 =	vadd.s32 s17, v0;
	s17 =	smov.u32 s24  }
0xdd: {  	s19 =	sor.u32 s26, s25;
	[tilespmem:s18+$0x1F0] =	vst v0  }
0xde: {  	[tilespmem:s23], [sflag:$0x1] =	stream.indirect.gather [hbm4b:s1+s12], $0x1, s18, s12, $0xb8;
	[tilespmem:$0xAA80] =	vst v63  }
0xdf: {  	v0 =	vld [tilespmem:s19+$0x0];
	_ =	sdelay $0x4  }
0xe0: {  	s28 =	sadd.s32 $0x200, s20;
	v0 =	vadd.s32 s17, v0  }
0xe1: {  	[tilespmem:s28+$0x0] =	vst v0  }
0xe2: {  	v0 =	vld [tilespmem:s19+$0x10];
	_ =	sdelay $0x4  }
0xe3: {  	v0 =	vadd.s32 s17, v0  }
0xe4: {  	[tilespmem:s28+$0x10] =	vst v0  }
0xe5: {  	v0 =	vld [tilespmem:s19+$0x20];
	_ =	sdelay $0x4  }
0xe6: {  	v0 =	vadd.s32 s17, v0  }
0xe7: {  	[tilespmem:s28+$0x20] =	vst v0  }
0xe8: {  	v0 =	vld [tilespmem:s19+$0x30];
	_ =	sdelay $0x4  }
0xe9: {  	v0 =	vadd.s32 s17, v0  }
0xea: {  	[tilespmem:s28+$0x30] =	vst v0  }
0xeb: {  	v0 =	vld [tilespmem:s19+$0x40];
	_ =	sdelay $0x4  }
0xec: {  	v0 =	vadd.s32 s17, v0  }
0xed: {  	[tilespmem:s28+$0x40] =	vst v0  }
0xee: {  	v0 =	vld [tilespmem:s19+$0x50];
	_ =	sdelay $0x4  }
0xef: {  	v0 =	vadd.s32 s17, v0  }
0xf0: {  	[tilespmem:s28+$0x50] =	vst v0  }
0xf1: {  	v0 =	vld [tilespmem:s19+$0x60];
	_ =	sdelay $0x4  }
0xf2: {  	v0 =	vadd.s32 s17, v0  }
0xf3: {  	[tilespmem:s28+$0x60] =	vst v0  }
0xf4: {  	v0 =	vld [tilespmem:s19+$0x70];
	_ =	sdelay $0x4  }
0xf5: {  	v0 =	vadd.s32 s17, v0  }
0xf6: {  	[tilespmem:s28+$0x70] =	vst v0  }
0xf7: {  	v0 =	vld [tilespmem:s19+$0x400];
	_ =	sdelay $0x4  }
0xf8: {  	v0 =	vadd.s32 s17, v0  }
0xf9: {  	[tilespmem:s28+$0x80] =	vst v0  }
0xfa: {  	v0 =	vld [tilespmem:s19+$0x410];
	_ =	sdelay $0x4  }
0xfb: {  	v0 =	vadd.s32 s17, v0  }
0xfc: {  	[tilespmem:s28+$0x90] =	vst v0  }
0xfd: {  	v0 =	vld [tilespmem:s19+$0x420];
	_ =	sdelay $0x4  }
0xfe: {  	v0 =	vadd.s32 s17, v0  }
0xff: {  	[tilespmem:s28+$0xA0] =	vst v0  }
0x100: {  	v0 =	vld [tilespmem:s19+$0x430];
	_ =	sdelay $0x4  }
0x101: {  	v0 =	vadd.s32 s17, v0  }
0x102: {  	[tilespmem:s28+$0xB0] =	vst v0  }
0x103: {  	v0 =	vld [tilespmem:s19+$0x440];
	_ =	sdelay $0x4  }
0x104: {  	v0 =	vadd.s32 s17, v0  }
0x105: {  	[tilespmem:s28+$0xC0] =	vst v0  }
0x106: {  	v0 =	vld [tilespmem:s19+$0x450];
	_ =	sdelay $0x4  }
0x107: {  	v0 =	vadd.s32 s17, v0  }
0x108: {  	[tilespmem:s28+$0xD0] =	vst v0  }
0x109: {  	v0 =	vld [tilespmem:s19+$0x460];
	_ =	sdelay $0x4  }
0x10a: {  	v0 =	vadd.s32 s17, v0  }
0x10b: {  	[tilespmem:s28+$0xE0] =	vst v0  }
0x10c: {  	v0 =	vld [tilespmem:s19+$0x470];
	_ =	sdelay $0x4  }
0x10d: {  	v0 =	vadd.s32 s17, v0  }
0x10e: {  	[tilespmem:s28+$0xF0] =	vst v0  }
0x10f: {  	v0 =	vld [tilespmem:s19+$0x800];
	_ =	sdelay $0x4  }
0x110: {  	v0 =	vadd.s32 s17, v0  }
0x111: {  	[tilespmem:s28+$0x100] =	vst v0  }
0x112: {  	v0 =	vld [tilespmem:s19+$0x810];
	_ =	sdelay $0x4  }
0x113: {  	v0 =	vadd.s32 s17, v0  }
0x114: {  	[tilespmem:s28+$0x110] =	vst v0  }
0x115: {  	v0 =	vld [tilespmem:s19+$0x820];
	_ =	sdelay $0x4  }
0x116: {  	v0 =	vadd.s32 s17, v0  }
0x117: {  	[tilespmem:s28+$0x120] =	vst v0  }
0x118: {  	v0 =	vld [tilespmem:s19+$0x830];
	_ =	sdelay $0x4  }
0x119: {  	v0 =	vadd.s32 s17, v0  }
0x11a: {  	[tilespmem:s28+$0x130] =	vst v0  }
0x11b: {  	v0 =	vld [tilespmem:s19+$0x840];
	_ =	sdelay $0x4  }
0x11c: {  	v0 =	vadd.s32 s17, v0  }
0x11d: {  	[tilespmem:s28+$0x140] =	vst v0  }
0x11e: {  	v0 =	vld [tilespmem:s19+$0x850];
	_ =	sdelay $0x4  }
0x11f: {  	v0 =	vadd.s32 s17, v0  }
0x120: {  	[tilespmem:s28+$0x150] =	vst v0  }
0x121: {  	v0 =	vld [tilespmem:s19+$0x860];
	_ =	sdelay $0x4  }
0x122: {  	v0 =	vadd.s32 s17, v0  }
0x123: {  	[tilespmem:s28+$0x160] =	vst v0  }
0x124: {  	v0 =	vld [tilespmem:s19+$0x870];
	_ =	sdelay $0x4  }
0x125: {  	v0 =	vadd.s32 s17, v0  }
0x126: {  	[tilespmem:s28+$0x170] =	vst v0  }
0x127: {  	v0 =	vld [tilespmem:s19+$0xC00];
	_ =	sdelay $0x4  }
0x128: {  	v0 =	vadd.s32 s17, v0  }
0x129: {  	[tilespmem:s28+$0x180] =	vst v0  }
0x12a: {  	v0 =	vld [tilespmem:s19+$0xC10];
	_ =	sdelay $0x4  }
0x12b: {  	v0 =	vadd.s32 s17, v0  }
0x12c: {  	[tilespmem:s28+$0x190] =	vst v0  }
0x12d: {  	v0 =	vld [tilespmem:s19+$0xC20];
	_ =	sdelay $0x4  }
0x12e: {  	v0 =	vadd.s32 s17, v0  }
0x12f: {  	[tilespmem:s28+$0x1A0] =	vst v0  }
0x130: {  	v0 =	vld [tilespmem:s19+$0xC30];
	_ =	sdelay $0x4  }
0x131: {  	v0 =	vadd.s32 s17, v0  }
0x132: {  	[tilespmem:s28+$0x1B0] =	vst v0  }
0x133: {  	v0 =	vld [tilespmem:s19+$0xC40];
	_ =	sdelay $0x4  }
0x134: {  	v0 =	vadd.s32 s17, v0  }
0x135: {  	[tilespmem:s28+$0x1C0] =	vst v0  }
0x136: {  	v0 =	vld [tilespmem:s19+$0xC50];
	_ =	sdelay $0x4  }
0x137: {  	v0 =	vadd.s32 s17, v0  }
0x138: {  	[tilespmem:s28+$0x1D0] =	vst v0  }
0x139: {  	v0 =	vld [tilespmem:s19+$0xC60];
	_ =	sdelay $0x4  }
0x13a: {  	v0 =	vadd.s32 s17, v0  }
0x13b: {  	[tilespmem:s28+$0x1E0] =	vst v0  }
0x13c: {  	v0 =	vld [tilespmem:s19+$0xC70];
	_ =	sdelay $0x4  }
0x13d: {  	v0 =	vadd.s32 s17, v0  }
0x13e: {  	s16 =	sadd.s32 $0x200, s16;
	[tilespmem:s28+$0x1F0] =	vst v0  }
0x13f: {  	[tilespmem:s16], [sflag:$0x1] =	stream.indirect.gather [hbm4b:s1+s12], $0x1, s28, s12, $0xb8;
	[tilespmem:$0xAA80] =	vst v63  }
0x140: {  	_ =	swait.ge [sflag:s13], $0x3400  }
0x141: {  	[sflag:s13] =	ssyncset.done $0x0  }
0x142: {  	[sflag:s13] =	ssyncadd.s32 $0xFFFFCC00  }
0x143: {  	s29 =	simm.s32 $0x7400;
	v0 =	vld [tilespmem:$0xAA00]  }
0x144: {  	s30 =	simm.s32 $0x0;
	v1 =	vld [tilespmem:s29+$0x0]  }
0x145: {  	s31 =	sand.u32 $0x1F0, s30  }
0x146: {  	v2 =	vld [tilespmem:s31+$0x7600];
	_ =	sdelay $0x1  }
0x147: {  	v3 =	vld [tilespmem:s31+$0x7800]  }
0x148: {  	v1 =	vadd.f32 v1, v0  }
0x149: {  	v4 =	vld [tilespmem:s31+$0x7A00]  }
0x14a: {  	v1 =	vadd.f32 v2, v1  }
0x14b: {  	v2 =	vld [tilespmem:s31+$0x7C00]  }
0x14c: {  	v1 =	vadd.f32 v3, v1  }
0x14d: {  	v3 =	vld [tilespmem:s31+$0x7E00]  }
0x14e: {  	v1 =	vadd.f32 v4, v1  }
0x14f: {  	v57 =	vld [tilespmem:s31+$0x8000]  }
0x150: {  	v1 =	vadd.f32 v2, v1  }
0x151: {  	v2 =	vld [tilespmem:s31+$0x8200]  }
0x152: {  	v1 =	vadd.f32 v3, v1  }
0x153: {  	v3 =	vld [tilespmem:s31+$0x8400]  }
0x154: {  	v1 =	vadd.f32 v57, v1  }
0x155: {  	v58 =	vld [tilespmem:s31+$0x8600]  }
0x156: {  	v1 =	vadd.f32 v2, v1  }
0x157: {  	v2 =	vld [tilespmem:s31+$0x8800]  }
0x158: {  	v1 =	vadd.f32 v3, v1  }
0x159: {  	v3 =	vld [tilespmem:s31+$0x8A00]  }
0x15a: {  	v1 =	vadd.f32 v58, v1  }
0x15b: {  	v59 =	vld [tilespmem:s31+$0x8C00]  }
0x15c: {  	v1 =	vadd.f32 v2, v1  }
0x15d: {  	v2 =	vld [tilespmem:s31+$0x8E00]  }
0x15e: {  	v1 =	vadd.f32 v3, v1  }
0x15f: {  	v3 =	vld [tilespmem:s31+$0x9000]  }
0x160: {  	v1 =	vadd.f32 v59, v1  }
0x161: {  	v60 =	vld [tilespmem:s31+$0x9200]  }
0x162: {  	v1 =	vadd.f32 v2, v1  }
0x163: {  	v2 =	vld [tilespmem:s31+$0x9400]  }
0x164: {  	v1 =	vadd.f32 v3, v1  }
0x165: {  	v3 =	vld [tilespmem:s31+$0x9600]  }
0x166: {  	v1 =	vadd.f32 v60, v1  }
0x167: {  	v61 =	vld [tilespmem:s31+$0x9800]  }
0x168: {  	v1 =	vadd.f32 v2, v1  }
0x169: {  	v2 =	vld [tilespmem:s31+$0x9A00]  }
0x16a: {  	v1 =	vadd.f32 v3, v1  }
0x16b: {  	v3 =	vld [tilespmem:s31+$0x9C00]  }
0x16c: {  	v1 =	vadd.f32 v61, v1  }
0x16d: {  	v62 =	vld [tilespmem:s31+$0x9E00]  }
0x16e: {  	v1 =	vadd.f32 v2, v1  }
0x16f: {  	v2 =	vld [tilespmem:s31+$0xA000]  }
0x170: {  	v1 =	vadd.f32 v3, v1  }
0x171: {  	v3 =	vld [tilespmem:s31+$0xA200]  }
0x172: {  	v1 =	vadd.f32 v62, v1  }
0x173: {  	v63 =	vld [tilespmem:s31+$0xA400]  }
0x174: {  	v1 =	vadd.f32 v2, v1  }
0x175: {  	v2 =	vld [tilespmem:s31+$0xA600]  }
0x176: {  	v1 =	vadd.f32 v3, v1;
	_ =	sdelay $0x1  }
0x177: {  	v1 =	vadd.f32 v63, v1;
	_ =	sdelay $0x1  }
0x178: {  	v1 =	vadd.f32 v2, v1  }
0x179: {  	s16 =	simm.s32 $0xA800  }
0x17a: {  	s17 =	simm.s32 $0x7410;
	[tilespmem:s16+$0x0] =	vst v1  }
0x17b: {  	s18 =	simm.s32 $0x10;
	s19 =	simm.s32 $0x20;
	v1 =	vld [tilespmem:s17+$0x0]  }
.LBB2_4:
0x17c: {  	p0 =	sne.s32 s19, $0x1F0;
	s20 =	sand.u32 $0x1F0, s18;
	s18 =	smov.u32 s19  }
0x17d: {  	v2 =	vld [tilespmem:s20+$0x7600];
	_ =	sdelay $0x1  }
0x17e: {  	v3 =	vld [tilespmem:s20+$0x7800]  }
0x17f: {  	v1 =	vadd.f32 v1, v0  }
0x180: {  	v4 =	vld [tilespmem:s20+$0x7A00]  }
0x181: {  	v1 =	vadd.f32 v2, v1  }
0x182: {  	v2 =	vld [tilespmem:s20+$0x7C00]  }
0x183: {  	v1 =	vadd.f32 v3, v1  }
0x184: {  	v3 =	vld [tilespmem:s20+$0x7E00]  }
0x185: {  	v1 =	vadd.f32 v4, v1  }
0x186: {  	v4 =	vld [tilespmem:s20+$0x8000]  }
0x187: {  	v1 =	vadd.f32 v2, v1  }
0x188: {  	v2 =	vld [tilespmem:s20+$0x8200]  }
0x189: {  	v1 =	vadd.f32 v3, v1  }
0x18a: {  	v3 =	vld [tilespmem:s20+$0x8400]  }
0x18b: {  	v1 =	vadd.f32 v4, v1  }
0x18c: {  	v4 =	vld [tilespmem:s20+$0x8600]  }
0x18d: {  	v1 =	vadd.f32 v2, v1  }
0x18e: {  	v2 =	vld [tilespmem:s20+$0x8800]  }
0x18f: {  	v1 =	vadd.f32 v3, v1  }
0x190: {  	v3 =	vld [tilespmem:s20+$0x8A00]  }
0x191: {  	v1 =	vadd.f32 v4, v1  }
0x192: {  	v4 =	vld [tilespmem:s20+$0x8C00]  }
0x193: {  	v1 =	vadd.f32 v2, v1  }
0x194: {  	v2 =	vld [tilespmem:s20+$0x8E00]  }
0x195: {  	v1 =	vadd.f32 v3, v1  }
0x196: {  	v3 =	vld [tilespmem:s20+$0x9000]  }
0x197: {  	v1 =	vadd.f32 v4, v1  }
0x198: {  	v4 =	vld [tilespmem:s20+$0x9200]  }
0x199: {  	v1 =	vadd.f32 v2, v1  }
0x19a: {  	v2 =	vld [tilespmem:s20+$0x9400]  }
0x19b: {  	v1 =	vadd.f32 v3, v1  }
0x19c: {  	v3 =	vld [tilespmem:s20+$0x9600]  }
0x19d: {  	v1 =	vadd.f32 v4, v1  }
0x19e: {  	v4 =	vld [tilespmem:s20+$0x9800]  }
0x19f: {  	v1 =	vadd.f32 v2, v1  }
0x1a0: {  	v2 =	vld [tilespmem:s20+$0x9A00]  }
0x1a1: {  	v1 =	vadd.f32 v3, v1  }
0x1a2: {  	v3 =	vld [tilespmem:s20+$0x9C00]  }
0x1a3: {  	v1 =	vadd.f32 v4, v1  }
0x1a4: {  	v4 =	vld [tilespmem:s20+$0x9E00]  }
0x1a5: {  	v1 =	vadd.f32 v2, v1  }
0x1a6: {  	v2 =	vld [tilespmem:s20+$0xA000]  }
0x1a7: {  	v1 =	vadd.f32 v3, v1  }
0x1a8: {  	v3 =	vld [tilespmem:s20+$0xA200]  }
0x1a9: {  	v1 =	vadd.f32 v4, v1  }
0x1aa: {  	v4 =	vld [tilespmem:s20+$0xA400]  }
0x1ab: {  	v1 =	vadd.f32 v2, v1  }
0x1ac: {  	v2 =	vld [tilespmem:s20+$0xA600]  }
0x1ad: {  	v1 =	vadd.f32 v3, v1;
	_ =	sdelay $0x1  }
0x1ae: {  	v1 =	vadd.f32 v4, v1  }
.Ltmp1:
0x1af: {  	(pc) =	sbr.rel @p0 .LBB2_4-.Ltmp1, $4  }
0x1b0: {  	v1 =	vadd.f32 v2, v1  }
0x1b1: {  	s16 =	sadd.s32 $0x10, s16  }
0x1b2: {  	s17 =	sadd.s32 $0x10, s17;
	[tilespmem:s16+$0x0] =	vst v1  }
0x1b3: {  	s19 =	sadd.s32 $0x10, s19;
	v1 =	vld [tilespmem:s17+$0x0]  }
0x1b4: {  	s17 =	sand.u32 $0x1F0, s18  }
0x1b5: {  	v2 =	vld [tilespmem:s17+$0x7600];
	_ =	sdelay $0x1  }
0x1b6: {  	v3 =	vld [tilespmem:s17+$0x7800]  }
0x1b7: {  	v0 =	vadd.f32 v1, v0  }
0x1b8: {  	v41 =	vld [tilespmem:s17+$0x7A00]  }
0x1b9: {  	v0 =	vadd.f32 v2, v0  }
0x1ba: {  	v42 =	vld [tilespmem:s17+$0x7C00]  }
0x1bb: {  	v0 =	vadd.f32 v3, v0  }
0x1bc: {  	v43 =	vld [tilespmem:s17+$0x7E00]  }
0x1bd: {  	v0 =	vadd.f32 v41, v0  }
0x1be: {  	v44 =	vld [tilespmem:s17+$0x8000]  }
0x1bf: {  	v0 =	vadd.f32 v42, v0  }
0x1c0: {  	v45 =	vld [tilespmem:s17+$0x8200]  }
0x1c1: {  	v0 =	vadd.f32 v43, v0  }
0x1c2: {  	v46 =	vld [tilespmem:s17+$0x8400]  }
0x1c3: {  	v0 =	vadd.f32 v44, v0  }
0x1c4: {  	v47 =	vld [tilespmem:s17+$0x8600]  }
0x1c5: {  	v0 =	vadd.f32 v45, v0  }
0x1c6: {  	v48 =	vld [tilespmem:s17+$0x8800]  }
0x1c7: {  	v0 =	vadd.f32 v46, v0  }
0x1c8: {  	v49 =	vld [tilespmem:s17+$0x8A00]  }
0x1c9: {  	v0 =	vadd.f32 v47, v0  }
0x1ca: {  	v50 =	vld [tilespmem:s17+$0x8C00]  }
0x1cb: {  	v0 =	vadd.f32 v48, v0  }
0x1cc: {  	v51 =	vld [tilespmem:s17+$0x8E00]  }
0x1cd: {  	v0 =	vadd.f32 v49, v0  }
0x1ce: {  	v52 =	vld [tilespmem:s17+$0x9000]  }
0x1cf: {  	v0 =	vadd.f32 v50, v0  }
0x1d0: {  	v53 =	vld [tilespmem:s17+$0x9200]  }
0x1d1: {  	v0 =	vadd.f32 v51, v0  }
0x1d2: {  	v54 =	vld [tilespmem:s17+$0x9400]  }
0x1d3: {  	v0 =	vadd.f32 v52, v0  }
0x1d4: {  	v55 =	vld [tilespmem:s17+$0x9600]  }
0x1d5: {  	v0 =	vadd.f32 v53, v0  }
0x1d6: {  	v56 =	vld [tilespmem:s17+$0x9800]  }
0x1d7: {  	v0 =	vadd.f32 v54, v0  }
0x1d8: {  	v57 =	vld [tilespmem:s17+$0x9A00]  }
0x1d9: {  	v0 =	vadd.f32 v55, v0  }
0x1da: {  	v58 =	vld [tilespmem:s17+$0x9C00]  }
0x1db: {  	v0 =	vadd.f32 v56, v0  }
0x1dc: {  	v59 =	vld [tilespmem:s17+$0x9E00]  }
0x1dd: {  	v0 =	vadd.f32 v57, v0  }
0x1de: {  	v60 =	vld [tilespmem:s17+$0xA000]  }
0x1df: {  	v0 =	vadd.f32 v58, v0  }
0x1e0: {  	v61 =	vld [tilespmem:s17+$0xA200]  }
0x1e1: {  	v0 =	vadd.f32 v59, v0  }
0x1e2: {  	v62 =	vld [tilespmem:s17+$0xA400]  }
0x1e3: {  	v0 =	vadd.f32 v60, v0  }
0x1e4: {  	v63 =	vld [tilespmem:s17+$0xA600]  }
0x1e5: {  	v0 =	vadd.f32 v61, v0;
	_ =	sdelay $0x1  }
0x1e6: {  	v0 =	vadd.f32 v62, v0;
	_ =	sdelay $0x1  }
0x1e7: {  	s15 =	sadd.s32 $0x1, s15;
	v0 =	vadd.f32 v63, v0  }
0x1e8: {  	s16 =	sadd.s32 $0x10, s16;
	p0 =	sne.s32 s15, s7  }
.Ltmp2:
0x1e9: {  	[tilespmem:s16+$0x0] =	vst v0;
	(pc) =	sbr.rel @p0 .LBB2_1-.Ltmp2, $4  }
0x1ea: {  	[hbm4b:s6+s3] =	stream.linear.scatter [tilespmem:s14], [sflag:$0x2], $0x200, $0x38;
	[tilespmem:$0xAA80] =	vst v63  }
0x1eb: {  	_ =	swait.ge [sflag:s10], $0x200  }
0x1ec: {  	[sflag:s10] =	ssyncset.done $0x0  }
0x1ed: {  	[sflag:s10] =	ssyncadd.s32 $0xFFFFFE00  }
0x1ee: {  	_ =	sfence.sel $0x180000  }
0x1ef: {  	[bflag:$0x0] =	sbarrier.arrive $0xFFFF  }
0x1f0: {  	p0 =	sne.s32 s2, $0x0;
	_ =	strace $0x90000047  }
0x1f1: {  	s0 =	sadd.s32 @!p0 $0x100000, s0;
	[bflag:$0x2] =	sbarrier.arrive $0xFFFF  }
0x1f2: {  	[sflag:s0] =	ssyncadd.tile.s32 @!p0 $0x1;
	_ =	shalt  }
.Lfunc_end2:
_tile_overlayer_lowered:
.L_overlay_start_2:
0x1f3: {  	(tag) =	ssettag $0x2  }
0x1f4: {  	s0 =	rddreg [dreg:$0x0];
	s2 =	stileid.u32  }
0x1f5: {  	s1 =	rddreg [dreg:$0x1];
	p0 =	sne.s32 s2, $0x0  }
0x1f6: {  	s3 =	rddreg [dreg:$0x2];
	[bflag:$0x3] =	sbarrier.arrive $0xFFFF;
	s2 =	simm.s32 @!p0 $0x1C02  }
0x1f7: {  	[timem:s3], [sflag:s2] =	dma.local @!p0 [hbm:s0], s1  }
0x1f8: {  	s0 =	simm.s32 @!p0 $0x2  }
0x1f9: {  	_ =	swait.ge @!p0 [sflag:s0], s1  }
0x1fa: {  	s1 =	ssub.s32 @!p0 $0x0, s1;
	[sflag:s0] =	ssyncset.done @!p0 $0x0  }
0x1fb: {  	[sflag:s0] =	ssyncadd.s32 @!p0 s1  }
0x1fc: {  	[bflag:$0x3] =	sbarrier.arrive $0xFFFF  }
0x1fd: {  	_ =	shalt  }

</sc_bundles>
